<compile_context>
chip_gen: v7x
topology: tpu7x:2x2x1
jax: 0.10.2.dev20260603
libtpu: 0.0.44.dev20260713+nightly
codegen_flags: <defaults>
</compile_context>

<pallas_src>
import functools

import jax
import jax.numpy as jnp
from jax import lax
from jax.experimental import pallas as pl
from jax.experimental.pallas import tpu as pltpu
from jax.experimental.pallas import tpu_sc as plsc

N = 10000
E = 320000
D_IN = 128
H = 64
C = 16
NG = 64

NC = 2
NS = 16
NW = NC * NS
CHUNK = 128
EPC = 79
EPW = EPC * CHUNK
E_PAD = NW * EPW
NP = 10240
SLAB = NP // NS

_mesh = plsc.VectorSubcoreMesh(core_axis_name="c", subcore_axis_name="s")



@functools.partial(
    pl.kernel,
    out_type=jax.ShapeDtypeStruct((NC, NP), jnp.float32),
    mesh=_mesh,
    scratch_types=[
        pltpu.VMEM((EPC, CHUNK), jnp.int32),
        pltpu.VMEM((CHUNK,), jnp.float32),
        pltpu.VMEM((SLAB,), jnp.float32),
        pltpu.VMEM_SHARED((NP,), jnp.float32),
    ],
)
def _deg_call(dsts_hbm, out_hbm, idx_d, ones_v, buf, acc):
    cid = lax.axis_index("c")
    sid = lax.axis_index("s")
    wid = cid * NS + sid

    def zrow(i, carry):
        buf[pl.ds(i * 16, 16)] = jnp.zeros((16,), jnp.float32)
        return carry

    lax.fori_loop(0, SLAB // 16, zrow, 0)
    for i in range(CHUNK // 16):
        ones_v[pl.ds(i * 16, 16)] = jnp.ones((16,), jnp.float32)
    pltpu.sync_copy(buf, acc.at[pl.ds(sid * SLAB, SLAB)])
    plsc.subcore_barrier()

    pltpu.sync_copy(dsts_hbm.at[wid], idx_d)

    def step(j, carry):
        pltpu.sync_copy(ones_v, acc.at[idx_d.at[j]], add=True)
        return carry

    lax.fori_loop(0, EPC, step, 0)
    plsc.subcore_barrier()
    pltpu.sync_copy(acc.at[pl.ds(sid * SLAB, SLAB)], buf)
    pltpu.sync_copy(buf, out_hbm.at[cid, pl.ds(sid * SLAB, SLAB)])


@functools.partial(
    pl.kernel,
    out_type=jax.ShapeDtypeStruct((NC, NP, H), jnp.float32),
    mesh=_mesh,
    compiler_params=pltpu.CompilerParams(use_tc_tiling_on_sc=False),
    scratch_types=[
        pltpu.VMEM((EPC, CHUNK), jnp.int32),
        pltpu.VMEM((EPC, CHUNK), jnp.int32),
        pltpu.VMEM((CHUNK, H), jnp.float32),
        pltpu.VMEM((SLAB, H), jnp.float32),
        pltpu.VMEM_SHARED((NP, H), jnp.float32),
        pltpu.SemaphoreType.DMA,
    ],
)
def _spmm_call(table_hbm, srcs_hbm, dsts_hbm, out_hbm,
               idx_s, idx_d, rows, buf, acc, sem):
    cid = lax.axis_index("c")
    sid = lax.axis_index("s")
    wid = cid * NS + sid

    def zrow(r, carry):
        for c4 in range(H // 16):
            buf[r, pl.ds(c4 * 16, 16)] = jnp.zeros((16,), jnp.float32)
        return carry

    lax.fori_loop(0, SLAB, zrow, 0)
    pltpu.sync_copy(buf, acc.at[pl.ds(sid * SLAB, SLAB)])
    plsc.subcore_barrier()

    pltpu.sync_copy(srcs_hbm.at[wid], idx_s)
    pltpu.sync_copy(dsts_hbm.at[wid], idx_d)

    def step(j, carry):
        pltpu.async_copy(table_hbm.at[idx_s.at[j]], rows, sem).wait()
        pltpu.sync_copy(rows, acc.at[idx_d.at[j]], add=True)
        return carry

    lax.fori_loop(0, EPC, step, 0)
    plsc.subcore_barrier()
    pltpu.sync_copy(acc.at[pl.ds(sid * SLAB, SLAB)], buf)
    pltpu.sync_copy(buf, out_hbm.at[cid, pl.ds(sid * SLAB, SLAB)])



def _prep_body(x_ref, w_ref, degc_ref, y_ref, dinv_ref):
    deg = degc_ref[0] + degc_ref[1] + 1.0
    dinv = lax.rsqrt(deg)
    xw = jnp.dot(x_ref[...], w_ref[...], preferred_element_type=jnp.float32)
    y_ref[...] = xw * dinv
    dinv_ref[...] = dinv


def _mid_body(z_ref, y1_ref, dinv_ref, b1_ref, w2_ref, y2_ref):
    dinv = dinv_ref[...]
    h1 = jnp.maximum(
        (z_ref[0] + z_ref[1] + y1_ref[...]) * dinv + b1_ref[...], 0.0)
    y2_ref[...] = jnp.dot(h1, w2_ref[...],
                          preferred_element_type=jnp.float32) * dinv


def _fin_body(z_ref, y2_ref, dinv_ref, b2_ref, batch_ref, wl_ref, bl_ref,
              o_ref):
    h2 = jnp.maximum(
        (z_ref[0] + z_ref[1] + y2_ref[...]) * dinv_ref[...] + b2_ref[...],
        0.0)
    gids = lax.broadcasted_iota(jnp.int32, (NG, NP), 0)
    mask = jnp.where(gids == batch_ref[...], 1.0, 0.0)
    pooled = jnp.dot(mask, h2, preferred_element_type=jnp.float32)
    logits = jnp.dot(pooled, wl_ref[...],
                     preferred_element_type=jnp.float32) + bl_ref[...]
    m = jnp.max(logits, axis=1, keepdims=True)
    s = logits - m
    o_ref[...] = s - jnp.log(jnp.sum(jnp.exp(s), axis=1, keepdims=True))


def _tc(body, out_shape):
    return pl.pallas_call(body, out_shape=out_shape)


def kernel(x, edge_index, batch, W1, b1, W2, b2, Wl, bl):
    f32 = jnp.float32
    src = edge_index[0]
    dst = edge_index[1]
    pad = jnp.full((E_PAD - E,), N, jnp.int32)
    srcs = jnp.concatenate([src, pad]).reshape(NW, EPC, CHUNK)
    dsts = jnp.concatenate([dst, pad]).reshape(NW, EPC, CHUNK)
    x_p = jnp.pad(x, ((0, NP - N), (0, 0)))
    batch_p = jnp.concatenate(
        [batch, jnp.full((NP - N,), NG, jnp.int32)]).reshape(1, NP)
    b1r = b1.reshape(1, H)
    b2r = b2.reshape(1, H)
    blr = bl.reshape(1, C)

    degp = _deg_call(dsts)
    degc = degp.reshape(NC, NP, 1)
    y1, dinv = _tc(_prep_body,
                   (jax.ShapeDtypeStruct((NP, H), f32),
                    jax.ShapeDtypeStruct((NP, 1), f32)))(x_p, W1, degc)
    z1 = _spmm_call(y1, srcs, dsts)
    y2 = _tc(_mid_body, jax.ShapeDtypeStruct((NP, H), f32))(
        z1, y1, dinv, b1r, W2)
    z2 = _spmm_call(y2, srcs, dsts)
    out = _tc(_fin_body, jax.ShapeDtypeStruct((NG, C), f32))(
        z2, y2, dinv, b2r, batch_p, Wl, blr)
    return out

# --- scband reference (transcript-rebuilt; emitter-appended) ---
"""Pipeline reference for scband-gpsgraph-84533546319965 (READ-ONLY COPY).

The authoritative reference and input builder live on the scoring server;
editing this copy changes nothing except your own understanding.
"""

import jax, jax.numpy as jnp
import numpy as np

N = 10000
E = 320000
D_IN = 128
H = 64
C = 16
NG = 64


def gcn_conv(x, edge_index, W, b, num_nodes):
    # GCNConv: add self-loops, symmetric normalization D^-1/2 (A+I) D^-1/2 x W + b
    src = edge_index[0]
    dst = edge_index[1]
    loop = jnp.arange(num_nodes, dtype=src.dtype)
    src = jnp.concatenate([src, loop])
    dst = jnp.concatenate([dst, loop])
    xw = x @ W
    ones = jnp.ones(src.shape[0], dtype=xw.dtype)
    deg = jax.ops.segment_sum(ones, dst, num_segments=num_nodes)
    dinv = jnp.where(deg > 0, 1.0 / jnp.sqrt(deg), 0.0)
    norm = dinv[src] * dinv[dst]
    msgs = xw[src] * norm[:, None]
    out = jax.ops.segment_sum(msgs, dst, num_segments=num_nodes)
    return out + b


def setup_inputs(seed: int = 0) -> dict:
    key = jax.random.key(seed)
    ks = jax.random.split(key, 10)
    x = jax.random.normal(ks[0], (N, D_IN), dtype=jnp.float32)
    edge_index = jax.random.randint(ks[1], (2, E), 0, N, dtype=jnp.int32)
    batch = jnp.sort(jax.random.randint(ks[2], (N,), 0, NG, dtype=jnp.int32))
    W1 = jax.random.normal(ks[3], (D_IN, H), dtype=jnp.float32) * (1.0 / np.sqrt(D_IN))
    b1 = jnp.zeros((H,), dtype=jnp.float32)
    W2 = jax.random.normal(ks[4], (H, H), dtype=jnp.float32) * (1.0 / np.sqrt(H))
    b2 = jnp.zeros((H,), dtype=jnp.float32)
    Wl = jax.random.normal(ks[5], (H, C), dtype=jnp.float32) * (1.0 / np.sqrt(H))
    bl = jnp.zeros((C,), dtype=jnp.float32)
    return {"x": x, "edge_index": edge_index, "batch": batch,
            "W1": W1, "b1": b1, "W2": W2, "b2": b2, "Wl": Wl, "bl": bl}


def reference(x, edge_index, batch, W1, b1, W2, b2, Wl, bl):
    # conv1 + relu (dropout is identity in eval mode)
    h = gcn_conv(x, edge_index, W1, b1, N)
    h = jax.nn.relu(h)
    # second GCN layer + relu
    h = gcn_conv(h, edge_index, W2, b2, N)
    h = jax.nn.relu(h)
    # global_add_pool over batch assignment
    pooled = jax.ops.segment_sum(h, batch, num_segments=NG)
    logits = pooled @ Wl + bl
    return jax.nn.log_softmax(logits, axis=1)

if __name__ == "__main__":
    import jax
    _d = setup_inputs()
    print(jax.jit(kernel)(*tuple(_d.values())))

</pallas_src>

<mosaic_0001>
#map = affine_map<(d0, d1) -> (0, 0)>
#map1 = affine_map<(d0, d1) -> (0, 0, 0)>
module attributes {stable_mosaic.version = 14 : i64} {
  func.func @_spmm_call(%arg0: i32, %arg1: i32, %arg2: memref<10240x64xf32, #tpu.memory_space<hbm>>, %arg3: memref<32x79x128xi32, #tpu.memory_space<hbm>>, %arg4: memref<32x79x128xi32, #tpu.memory_space<hbm>>, %arg5: memref<2x10240x64xf32, #tpu.memory_space<hbm>>, %arg6: memref<79x128xi32, #tpu.memory_space<vmem>>, %arg7: memref<79x128xi32, #tpu.memory_space<vmem>>, %arg8: memref<128x64xf32, #tpu.memory_space<vmem>>, %arg9: memref<640x64xf32, #tpu.memory_space<vmem>>, %arg10: memref<10240x64xf32, #tpu.memory_space<vmem_shared>>, %arg11: memref<!tpu.dma_semaphore, #tpu.memory_space<semaphore_mem>>) attributes {dimension_semantics = [#tpu.dimension_semantics<core_parallel>, #tpu.dimension_semantics<subcore_parallel>], iteration_bounds = array<i64: 2, 16>, scalar_prefetch = 0 : i64, scratch_operands = 6 : i64, tpu.core_type = #tpu.core_type<sc_vector_subcore>, window_params = [{transform_indices = #map}, {transform_indices = #map1}, {transform_indices = #map1}, {transform_indices = #map1}]} {
    %mul3A = arith.constant 16 : i32
    %mul3A_0 = arith.muli %arg0, %mul3A : i32
    %add3A = arith.addi %mul3A_0, %arg1 : i32
    %scan3A = arith.constant 0 : i32
    %scan3A_1 = arith.constant 0 : i32
    %scan3A_2 = arith.constant 640 : i32
    %scan3A_3 = arith.addi %scan3A_1, %scan3A_2 : i32
    %scan3A_4 = arith.constant 1 : i32
    scf.for %scan3A_19 = %scan3A_1 to %scan3A_3 step %scan3A_4  : i32 {
      %broadcast_in_dim3A = arith.constant 0.000000e+00 : f32
      %broadcast_in_dim3A_20 = vector.broadcast %broadcast_in_dim3A : f32 to vector<16xf32>
      %swap3A = arith.index_cast %scan3A_19 : i32 to index
      %swap3A_21 = arith.constant 0 : index
      %swap3A_22 = tpu.vector_load %arg9[%swap3A, %swap3A_21] {strides = array<i32>} : memref<640x64xf32, #tpu.memory_space<vmem>>, vector<1x16xf32>,
      %swap3A_23 = vector.shape_cast %swap3A_22 : vector<1x16xf32> to vector<16xf32>
      %swap3A_24 = vector.shape_cast %broadcast_in_dim3A_20 : vector<16xf32> to vector<1x16xf32>
      tpu.vector_store %arg9[%swap3A, %swap3A_21], %swap3A_24 {strides = array<i32>} : memref<640x64xf32, #tpu.memory_space<vmem>>, vector<1x16xf32>,
      %broadcast_in_dim3A_25 = arith.constant 0.000000e+00 : f32
      %broadcast_in_dim3A_26 = vector.broadcast %broadcast_in_dim3A_25 : f32 to vector<16xf32>
      %swap3A_27 = arith.index_cast %scan3A_19 : i32 to index
      %swap3A_28 = arith.constant 16 : index
      %swap3A_29 = tpu.vector_load %arg9[%swap3A_27, %swap3A_28] {strides = array<i32>} : memref<640x64xf32, #tpu.memory_space<vmem>>, vector<1x16xf32>,
      %swap3A_30 = vector.shape_cast %swap3A_29 : vector<1x16xf32> to vector<16xf32>
      %swap3A_31 = vector.shape_cast %broadcast_in_dim3A_26 : vector<16xf32> to vector<1x16xf32>
      tpu.vector_store %arg9[%swap3A_27, %swap3A_28], %swap3A_31 {strides = array<i32>} : memref<640x64xf32, #tpu.memory_space<vmem>>, vector<1x16xf32>,
      %broadcast_in_dim3A_32 = arith.constant 0.000000e+00 : f32
      %broadcast_in_dim3A_33 = vector.broadcast %broadcast_in_dim3A_32 : f32 to vector<16xf32>
      %swap3A_34 = arith.index_cast %scan3A_19 : i32 to index
      %swap3A_35 = arith.constant 32 : index
      %swap3A_36 = tpu.vector_load %arg9[%swap3A_34, %swap3A_35] {strides = array<i32>} : memref<640x64xf32, #tpu.memory_space<vmem>>, vector<1x16xf32>,
      %swap3A_37 = vector.shape_cast %swap3A_36 : vector<1x16xf32> to vector<16xf32>
      %swap3A_38 = vector.shape_cast %broadcast_in_dim3A_33 : vector<16xf32> to vector<1x16xf32>
      tpu.vector_store %arg9[%swap3A_34, %swap3A_35], %swap3A_38 {strides = array<i32>} : memref<640x64xf32, #tpu.memory_space<vmem>>, vector<1x16xf32>,
      %broadcast_in_dim3A_39 = arith.constant 0.000000e+00 : f32
      %broadcast_in_dim3A_40 = vector.broadcast %broadcast_in_dim3A_39 : f32 to vector<16xf32>
      %swap3A_41 = arith.index_cast %scan3A_19 : i32 to index
      %swap3A_42 = arith.constant 48 : index
      %swap3A_43 = tpu.vector_load %arg9[%swap3A_41, %swap3A_42] {strides = array<i32>} : memref<640x64xf32, #tpu.memory_space<vmem>>, vector<1x16xf32>,
      %swap3A_44 = vector.shape_cast %swap3A_43 : vector<1x16xf32> to vector<16xf32>
      %swap3A_45 = vector.shape_cast %broadcast_in_dim3A_40 : vector<16xf32> to vector<1x16xf32>
      tpu.vector_store %arg9[%swap3A_41, %swap3A_42], %swap3A_45 {strides = array<i32>} : memref<640x64xf32, #tpu.memory_space<vmem>>, vector<1x16xf32>,
    }
    %scan3A_5 = arith.constant 640 : i32
    %mul3A_6 = arith.constant 640 : i32
    %mul3A_7 = arith.muli %arg1, %mul3A_6 : i32
    "tpu.region"() ({
      %run_scoped3A = tpu.sem_alloc : memref<!tpu.dma_semaphore, #tpu.memory_space<semaphore_mem>>
      %dma_start3A = arith.constant 0 : i32
      %dma_start3A_19 = tpu.memref_slice %arg10[%mul3A_7, %dma_start3A] : memref<10240x64xf32, #tpu.memory_space<vmem_shared>> -> memref<640x64xf32, #tpu.memory_space<vmem_shared>>
      %dma_start3A_20 = arith.constant 0 : i32
      %dma_start3A_21 = tpu.memref_slice %arg10[%mul3A_7, %dma_start3A_20] : memref<10240x64xf32, #tpu.memory_space<vmem_shared>> -> memref<640x64xf32, #tpu.memory_space<vmem_shared>>
      tpu.enqueue_dma source(%arg9 : memref<640x64xf32, #tpu.memory_space<vmem>>) target(%dma_start3A_21 : memref<640x64xf32, #tpu.memory_space<vmem_shared>>) target_semaphore(%run_scoped3A : memref<!tpu.dma_semaphore, #tpu.memory_space<semaphore_mem>>)
      %dma_wait3A = arith.constant 0 : i32
      %dma_wait3A_22 = tpu.memref_slice %arg10[%mul3A_7, %dma_wait3A] : memref<10240x64xf32, #tpu.memory_space<vmem_shared>> -> memref<640x64xf32, #tpu.memory_space<vmem_shared>>
      %dma_wait3A_23 = arith.constant 0 : i32
      %dma_wait3A_24 = tpu.memref_slice %arg10[%mul3A_7, %dma_wait3A_23] : memref<10240x64xf32, #tpu.memory_space<vmem_shared>> -> memref<640x64xf32, #tpu.memory_space<vmem_shared>>
      tpu.wait_dma2 semaphore(%run_scoped3A : memref<!tpu.dma_semaphore, #tpu.memory_space<semaphore_mem>>) src(%arg9 : memref<640x64xf32, #tpu.memory_space<vmem>>) dst(%dma_wait3A_24 : memref<640x64xf32, #tpu.memory_space<vmem_shared>>)
      tpu.yield
    }) : () -> ()
    %barrier3A = arith.constant 0 : index
    tpu.barrier barrier_id(%barrier3A)
    "tpu.region"() ({
      %run_scoped3A = tpu.sem_alloc : memref<!tpu.dma_semaphore, #tpu.memory_space<semaphore_mem>>
      %dma_start3A = arith.constant 0 : i32
      %dma_start3A_19 = arith.constant 0 : i32
      %dma_start3A_20 = tpu.memref_slice %arg3[%add3A, %dma_start3A, %dma_start3A_19] : memref<32x79x128xi32, #tpu.memory_space<hbm>> -> memref<1x79x128xi32, #tpu.memory_space<hbm>>
      %dma_start3A_21 = tpu.memref_squeeze %dma_start3A_20 : memref<1x79x128xi32, #tpu.memory_space<hbm>> -> memref<79x128xi32, #tpu.memory_space<hbm>>
      %dma_start3A_22 = arith.constant 0 : i32
      %dma_start3A_23 = arith.constant 0 : i32
      %dma_start3A_24 = tpu.memref_slice %arg3[%add3A, %dma_start3A_22, %dma_start3A_23] : memref<32x79x128xi32, #tpu.memory_space<hbm>> -> memref<1x79x128xi32, #tpu.memory_space<hbm>>
      %dma_start3A_25 = tpu.memref_squeeze %dma_start3A_24 : memref<1x79x128xi32, #tpu.memory_space<hbm>> -> memref<79x128xi32, #tpu.memory_space<hbm>>
      tpu.enqueue_dma source(%dma_start3A_25 : memref<79x128xi32, #tpu.memory_space<hbm>>) target(%arg6 : memref<79x128xi32, #tpu.memory_space<vmem>>) target_semaphore(%run_scoped3A : memref<!tpu.dma_semaphore, #tpu.memory_space<semaphore_mem>>)
      %dma_wait3A = arith.constant 0 : i32
      %dma_wait3A_26 = arith.constant 0 : i32
      %dma_wait3A_27 = tpu.memref_slice %arg3[%add3A, %dma_wait3A, %dma_wait3A_26] : memref<32x79x128xi32, #tpu.memory_space<hbm>> -> memref<1x79x128xi32, #tpu.memory_space<hbm>>
      %dma_wait3A_28 = tpu.memref_squeeze %dma_wait3A_27 : memref<1x79x128xi32, #tpu.memory_space<hbm>> -> memref<79x128xi32, #tpu.memory_space<hbm>>
      %dma_wait3A_29 = arith.constant 0 : i32
      %dma_wait3A_30 = arith.constant 0 : i32
      %dma_wait3A_31 = tpu.memref_slice %arg3[%add3A, %dma_wait3A_29, %dma_wait3A_30] : memref<32x79x128xi32, #tpu.memory_space<hbm>> -> memref<1x79x128xi32, #tpu.memory_space<hbm>>
      %dma_wait3A_32 = tpu.memref_squeeze %dma_wait3A_31 : memref<1x79x128xi32, #tpu.memory_space<hbm>> -> memref<79x128xi32, #tpu.memory_space<hbm>>
      tpu.wait_dma2 semaphore(%run_scoped3A : memref<!tpu.dma_semaphore, #tpu.memory_space<semaphore_mem>>) src(%dma_wait3A_32 : memref<79x128xi32, #tpu.memory_space<hbm>>) dst(%arg6 : memref<79x128xi32, #tpu.memory_space<vmem>>)
      tpu.yield
    }) : () -> ()
    "tpu.region"() ({
      %run_scoped3A = tpu.sem_alloc : memref<!tpu.dma_semaphore, #tpu.memory_space<semaphore_mem>>
      %dma_start3A = arith.constant 0 : i32
      %dma_start3A_19 = arith.constant 0 : i32
      %dma_start3A_20 = tpu.memref_slice %arg4[%add3A, %dma_start3A, %dma_start3A_19] : memref<32x79x128xi32, #tpu.memory_space<hbm>> -> memref<1x79x128xi32, #tpu.memory_space<hbm>>
      %dma_start3A_21 = tpu.memref_squeeze %dma_start3A_20 : memref<1x79x128xi32, #tpu.memory_space<hbm>> -> memref<79x128xi32, #tpu.memory_space<hbm>>
      %dma_start3A_22 = arith.constant 0 : i32
      %dma_start3A_23 = arith.constant 0 : i32
      %dma_start3A_24 = tpu.memref_slice %arg4[%add3A, %dma_start3A_22, %dma_start3A_23] : memref<32x79x128xi32, #tpu.memory_space<hbm>> -> memref<1x79x128xi32, #tpu.memory_space<hbm>>
      %dma_start3A_25 = tpu.memref_squeeze %dma_start3A_24 : memref<1x79x128xi32, #tpu.memory_space<hbm>> -> memref<79x128xi32, #tpu.memory_space<hbm>>
      tpu.enqueue_dma source(%dma_start3A_25 : memref<79x128xi32, #tpu.memory_space<hbm>>) target(%arg7 : memref<79x128xi32, #tpu.memory_space<vmem>>) target_semaphore(%run_scoped3A : memref<!tpu.dma_semaphore, #tpu.memory_space<semaphore_mem>>)
      %dma_wait3A = arith.constant 0 : i32
      %dma_wait3A_26 = arith.constant 0 : i32
      %dma_wait3A_27 = tpu.memref_slice %arg4[%add3A, %dma_wait3A, %dma_wait3A_26] : memref<32x79x128xi32, #tpu.memory_space<hbm>> -> memref<1x79x128xi32, #tpu.memory_space<hbm>>
      %dma_wait3A_28 = tpu.memref_squeeze %dma_wait3A_27 : memref<1x79x128xi32, #tpu.memory_space<hbm>> -> memref<79x128xi32, #tpu.memory_space<hbm>>
      %dma_wait3A_29 = arith.constant 0 : i32
      %dma_wait3A_30 = arith.constant 0 : i32
      %dma_wait3A_31 = tpu.memref_slice %arg4[%add3A, %dma_wait3A_29, %dma_wait3A_30] : memref<32x79x128xi32, #tpu.memory_space<hbm>> -> memref<1x79x128xi32, #tpu.memory_space<hbm>>
      %dma_wait3A_32 = tpu.memref_squeeze %dma_wait3A_31 : memref<1x79x128xi32, #tpu.memory_space<hbm>> -> memref<79x128xi32, #tpu.memory_space<hbm>>
      tpu.wait_dma2 semaphore(%run_scoped3A : memref<!tpu.dma_semaphore, #tpu.memory_space<semaphore_mem>>) src(%dma_wait3A_32 : memref<79x128xi32, #tpu.memory_space<hbm>>) dst(%arg7 : memref<79x128xi32, #tpu.memory_space<vmem>>)
      tpu.yield
    }) : () -> ()
    %scan3A_8 = arith.constant 0 : i32
    %scan3A_9 = arith.constant 0 : i32
    %scan3A_10 = arith.constant 79 : i32
    %scan3A_11 = arith.addi %scan3A_9, %scan3A_10 : i32
    %scan3A_12 = arith.constant 1 : i32
    scf.for %scan3A_19 = %scan3A_9 to %scan3A_11 step %scan3A_12  : i32 {
      %dma_start3A = arith.constant 0 : i32
      %dma_start3A_20 = tpu.memref_slice %arg6[%scan3A_19, %dma_start3A] : memref<79x128xi32, #tpu.memory_space<vmem>> -> memref<1x128xi32, #tpu.memory_space<vmem>>
      %dma_start3A_21 = tpu.memref_squeeze %dma_start3A_20 : memref<1x128xi32, #tpu.memory_space<vmem>> -> memref<128xi32, #tpu.memory_space<vmem>>
      %dma_start3A_22 = arith.constant 0 : i32
      %dma_start3A_23 = arith.constant 0 : i32
      %dma_start3A_24 = tpu.memref_slice %arg2[%dma_start3A_22, %dma_start3A_23] : memref<10240x64xf32, #tpu.memory_space<hbm>> -> memref<10240x64xf32, #tpu.memory_space<hbm>>
      tpu.enqueue_indirect_dma source(%dma_start3A_24 : memref<10240x64xf32, #tpu.memory_space<hbm>>) target(%arg8 : memref<128x64xf32, #tpu.memory_space<vmem>>) offsets(%dma_start3A_21 : memref<128xi32, #tpu.memory_space<vmem>>) semaphore(%arg11 : memref<!tpu.dma_semaphore, #tpu.memory_space<semaphore_mem>>)
      %dma_wait3A = arith.constant 0 : i32
      %dma_wait3A_25 = tpu.memref_slice %arg6[%scan3A_19, %dma_wait3A] : memref<79x128xi32, #tpu.memory_space<vmem>> -> memref<1x128xi32, #tpu.memory_space<vmem>>
      %dma_wait3A_26 = tpu.memref_squeeze %dma_wait3A_25 : memref<1x128xi32, #tpu.memory_space<vmem>> -> memref<128xi32, #tpu.memory_space<vmem>>
      %dma_wait3A_27 = arith.constant 0 : i32
      %dma_wait3A_28 = arith.constant 0 : i32
      %dma_wait3A_29 = tpu.memref_slice %arg2[%dma_wait3A_27, %dma_wait3A_28] : memref<10240x64xf32, #tpu.memory_space<hbm>> -> memref<10240x64xf32, #tpu.memory_space<hbm>>
      tpu.wait_indirect_dma semaphore(%arg11 : memref<!tpu.dma_semaphore, #tpu.memory_space<semaphore_mem>>) src(%dma_wait3A_29 : memref<10240x64xf32, #tpu.memory_space<hbm>>) dst(%arg8 : memref<128x64xf32, #tpu.memory_space<vmem>>)
      "tpu.region"() ({
        %run_scoped3A = tpu.sem_alloc : memref<!tpu.dma_semaphore, #tpu.memory_space<semaphore_mem>>
        %dma_start3A_30 = arith.constant 0 : i32
        %dma_start3A_31 = tpu.memref_slice %arg7[%scan3A_19, %dma_start3A_30] : memref<79x128xi32, #tpu.memory_space<vmem>> -> memref<1x128xi32, #tpu.memory_space<vmem>>
        %dma_start3A_32 = tpu.memref_squeeze %dma_start3A_31 : memref<1x128xi32, #tpu.memory_space<vmem>> -> memref<128xi32, #tpu.memory_space<vmem>>
        %dma_start3A_33 = arith.constant 0 : i32
        %dma_start3A_34 = arith.constant 0 : i32
        %dma_start3A_35 = tpu.memref_slice %arg10[%dma_start3A_33, %dma_start3A_34] : memref<10240x64xf32, #tpu.memory_space<vmem_shared>> -> memref<10240x64xf32, #tpu.memory_space<vmem_shared>>
        tpu.enqueue_indirect_dma source(%arg8 : memref<128x64xf32, #tpu.memory_space<vmem>>) target(%dma_start3A_35 : memref<10240x64xf32, #tpu.memory_space<vmem_shared>>) offsets(%dma_start3A_32 : memref<128xi32, #tpu.memory_space<vmem>>) semaphore(%run_scoped3A : memref<!tpu.dma_semaphore, #tpu.memory_space<semaphore_mem>>) {add = true}
        %dma_wait3A_36 = arith.constant 0 : i32
        %dma_wait3A_37 = tpu.memref_slice %arg7[%scan3A_19, %dma_wait3A_36] : memref<79x128xi32, #tpu.memory_space<vmem>> -> memref<1x128xi32, #tpu.memory_space<vmem>>
        %dma_wait3A_38 = tpu.memref_squeeze %dma_wait3A_37 : memref<1x128xi32, #tpu.memory_space<vmem>> -> memref<128xi32, #tpu.memory_space<vmem>>
        %dma_wait3A_39 = arith.constant 0 : i32
        %dma_wait3A_40 = arith.constant 0 : i32
        %dma_wait3A_41 = tpu.memref_slice %arg10[%dma_wait3A_39, %dma_wait3A_40] : memref<10240x64xf32, #tpu.memory_space<vmem_shared>> -> memref<10240x64xf32, #tpu.memory_space<vmem_shared>>
        tpu.wait_indirect_dma semaphore(%run_scoped3A : memref<!tpu.dma_semaphore, #tpu.memory_space<semaphore_mem>>) src(%arg8 : memref<128x64xf32, #tpu.memory_space<vmem>>) dst(%dma_wait3A_41 : memref<10240x64xf32, #tpu.memory_space<vmem_shared>>)
        tpu.yield
      }) : () -> ()
    }
    %scan3A_13 = arith.constant 79 : i32
    %barrier3A_14 = arith.constant 0 : index
    tpu.barrier barrier_id(%barrier3A_14)
    %mul3A_15 = arith.constant 640 : i32
    %mul3A_16 = arith.muli %arg1, %mul3A_15 : i32
    "tpu.region"() ({
      %run_scoped3A = tpu.sem_alloc : memref<!tpu.dma_semaphore, #tpu.memory_space<semaphore_mem>>
      %dma_start3A = arith.constant 0 : i32
      %dma_start3A_19 = tpu.memref_slice %arg10[%mul3A_16, %dma_start3A] : memref<10240x64xf32, #tpu.memory_space<vmem_shared>> -> memref<640x64xf32, #tpu.memory_space<vmem_shared>>
      %dma_start3A_20 = arith.constant 0 : i32
      %dma_start3A_21 = tpu.memref_slice %arg10[%mul3A_16, %dma_start3A_20] : memref<10240x64xf32, #tpu.memory_space<vmem_shared>> -> memref<640x64xf32, #tpu.memory_space<vmem_shared>>
      tpu.enqueue_dma source(%dma_start3A_21 : memref<640x64xf32, #tpu.memory_space<vmem_shared>>) target(%arg9 : memref<640x64xf32, #tpu.memory_space<vmem>>) target_semaphore(%run_scoped3A : memref<!tpu.dma_semaphore, #tpu.memory_space<semaphore_mem>>)
      %dma_wait3A = arith.constant 0 : i32
      %dma_wait3A_22 = tpu.memref_slice %arg10[%mul3A_16, %dma_wait3A] : memref<10240x64xf32, #tpu.memory_space<vmem_shared>> -> memref<640x64xf32, #tpu.memory_space<vmem_shared>>
      %dma_wait3A_23 = arith.constant 0 : i32
      %dma_wait3A_24 = tpu.memref_slice %arg10[%mul3A_16, %dma_wait3A_23] : memref<10240x64xf32, #tpu.memory_space<vmem_shared>> -> memref<640x64xf32, #tpu.memory_space<vmem_shared>>
      tpu.wait_dma2 semaphore(%run_scoped3A : memref<!tpu.dma_semaphore, #tpu.memory_space<semaphore_mem>>) src(%dma_wait3A_24 : memref<640x64xf32, #tpu.memory_space<vmem_shared>>) dst(%arg9 : memref<640x64xf32, #tpu.memory_space<vmem>>)
      tpu.yield
    }) : () -> ()
    %mul3A_17 = arith.constant 640 : i32
    %mul3A_18 = arith.muli %arg1, %mul3A_17 : i32
    "tpu.region"() ({
      %run_scoped3A = tpu.sem_alloc : memref<!tpu.dma_semaphore, #tpu.memory_space<semaphore_mem>>
      %dma_start3A = arith.constant 0 : i32
      %dma_start3A_19 = tpu.memref_slice %arg5[%arg0, %mul3A_18, %dma_start3A] : memref<2x10240x64xf32, #tpu.memory_space<hbm>> -> memref<1x640x64xf32, #tpu.memory_space<hbm>>
      %dma_start3A_20 = tpu.memref_squeeze %dma_start3A_19 : memref<1x640x64xf32, #tpu.memory_space<hbm>> -> memref<640x64xf32, #tpu.memory_space<hbm>>
      %dma_start3A_21 = arith.constant 0 : i32
      %dma_start3A_22 = tpu.memref_slice %arg5[%arg0, %mul3A_18, %dma_start3A_21] : memref<2x10240x64xf32, #tpu.memory_space<hbm>> -> memref<1x640x64xf32, #tpu.memory_space<hbm>>
      %dma_start3A_23 = tpu.memref_squeeze %dma_start3A_22 : memref<1x640x64xf32, #tpu.memory_space<hbm>> -> memref<640x64xf32, #tpu.memory_space<hbm>>
      tpu.enqueue_dma source(%arg9 : memref<640x64xf32, #tpu.memory_space<vmem>>) target(%dma_start3A_23 : memref<640x64xf32, #tpu.memory_space<hbm>>) target_semaphore(%run_scoped3A : memref<!tpu.dma_semaphore, #tpu.memory_space<semaphore_mem>>)
      %dma_wait3A = arith.constant 0 : i32
      %dma_wait3A_24 = tpu.memref_slice %arg5[%arg0, %mul3A_18, %dma_wait3A] : memref<2x10240x64xf32, #tpu.memory_space<hbm>> -> memref<1x640x64xf32, #tpu.memory_space<hbm>>
      %dma_wait3A_25 = tpu.memref_squeeze %dma_wait3A_24 : memref<1x640x64xf32, #tpu.memory_space<hbm>> -> memref<640x64xf32, #tpu.memory_space<hbm>>
      %dma_wait3A_26 = arith.constant 0 : i32
      %dma_wait3A_27 = tpu.memref_slice %arg5[%arg0, %mul3A_18, %dma_wait3A_26] : memref<2x10240x64xf32, #tpu.memory_space<hbm>> -> memref<1x640x64xf32, #tpu.memory_space<hbm>>
      %dma_wait3A_28 = tpu.memref_squeeze %dma_wait3A_27 : memref<1x640x64xf32, #tpu.memory_space<hbm>> -> memref<640x64xf32, #tpu.memory_space<hbm>>
      tpu.wait_dma2 semaphore(%run_scoped3A : memref<!tpu.dma_semaphore, #tpu.memory_space<semaphore_mem>>) src(%arg9 : memref<640x64xf32, #tpu.memory_space<vmem>>) dst(%dma_wait3A_28 : memref<640x64xf32, #tpu.memory_space<hbm>>)
      tpu.yield
    }) : () -> ()
    return
  }
}

#map = affine_map<(d0, d1) -> (0, 0, 0)>
#map1 = affine_map<(d0, d1) -> (0, 0)>
module attributes {stable_mosaic.version = 14 : i64} {
  func.func @_deg_call(%arg0: i32, %arg1: i32, %arg2: memref<32x79x128xi32, #tpu.memory_space<hbm>>, %arg3: memref<2x10240xf32, #tpu.memory_space<hbm>>, %arg4: memref<79x128xi32, #tpu.memory_space<vmem>>, %arg5: memref<128xf32, #tpu.memory_space<vmem>>, %arg6: memref<640xf32, #tpu.memory_space<vmem>>, %arg7: memref<10240xf32, #tpu.memory_space<vmem_shared>>) attributes {dimension_semantics = [#tpu.dimension_semantics<core_parallel>, #tpu.dimension_semantics<subcore_parallel>], iteration_bounds = array<i64: 2, 16>, scalar_prefetch = 0 : i64, scratch_operands = 4 : i64, tpu.core_type = #tpu.core_type<sc_vector_subcore>, window_params = [{transform_indices = #map}, {transform_indices = #map1}]} {
    %mul3A = arith.constant 16 : i32
    %mul3A_0 = arith.muli %arg0, %mul3A : i32
    %add3A = arith.addi %mul3A_0, %arg1 : i32
    %scan3A = arith.constant 0 : i32
    %scan3A_1 = arith.constant 0 : i32
    %scan3A_2 = arith.constant 40 : i32
    %scan3A_3 = arith.addi %scan3A_1, %scan3A_2 : i32
    %scan3A_4 = arith.constant 1 : i32
    scf.for %scan3A_65 = %scan3A_1 to %scan3A_3 step %scan3A_4  : i32 {
      %broadcast_in_dim3A_66 = arith.constant 0.000000e+00 : f32
      %broadcast_in_dim3A_67 = vector.broadcast %broadcast_in_dim3A_66 : f32 to vector<16xf32>
      %mul3A_68 = arith.constant 16 : i32
      %mul3A_69 = arith.muli %scan3A_65, %mul3A_68 : i32
      %swap3A_70 = arith.index_cast %mul3A_69 : i32 to index
      %swap3A_71 = tpu.vector_load %arg6[%swap3A_70] {strides = array<i32>} : memref<640xf32, #tpu.memory_space<vmem>>, vector<16xf32>,
      %swap3A_72 = vector.shape_cast %swap3A_71 : vector<16xf32> to vector<16xf32>
      %swap3A_73 = vector.shape_cast %broadcast_in_dim3A_67 : vector<16xf32> to vector<16xf32>
      tpu.vector_store %arg6[%swap3A_70], %swap3A_73 {strides = array<i32>} : memref<640xf32, #tpu.memory_space<vmem>>, vector<16xf32>,
    }
    %scan3A_5 = arith.constant 40 : i32
    %broadcast_in_dim3A = arith.constant 1.000000e+00 : f32
    %broadcast_in_dim3A_6 = vector.broadcast %broadcast_in_dim3A : f32 to vector<16xf32>
    %swap3A = arith.constant 0 : index
    %swap3A_7 = tpu.vector_load %arg5[%swap3A] {strides = array<i32>} : memref<128xf32, #tpu.memory_space<vmem>>, vector<16xf32>,
    %swap3A_8 = vector.shape_cast %swap3A_7 : vector<16xf32> to vector<16xf32>
    %swap3A_9 = vector.shape_cast %broadcast_in_dim3A_6 : vector<16xf32> to vector<16xf32>
    tpu.vector_store %arg5[%swap3A], %swap3A_9 {strides = array<i32>} : memref<128xf32, #tpu.memory_space<vmem>>, vector<16xf32>,
    %broadcast_in_dim3A_10 = arith.constant 1.000000e+00 : f32
    %broadcast_in_dim3A_11 = vector.broadcast %broadcast_in_dim3A_10 : f32 to vector<16xf32>
    %swap3A_12 = arith.constant 16 : index
    %swap3A_13 = tpu.vector_load %arg5[%swap3A_12] {strides = array<i32>} : memref<128xf32, #tpu.memory_space<vmem>>, vector<16xf32>,
    %swap3A_14 = vector.shape_cast %swap3A_13 : vector<16xf32> to vector<16xf32>
    %swap3A_15 = vector.shape_cast %broadcast_in_dim3A_11 : vector<16xf32> to vector<16xf32>
    tpu.vector_store %arg5[%swap3A_12], %swap3A_15 {strides = array<i32>} : memref<128xf32, #tpu.memory_space<vmem>>, vector<16xf32>,
    %broadcast_in_dim3A_16 = arith.constant 1.000000e+00 : f32
    %broadcast_in_dim3A_17 = vector.broadcast %broadcast_in_dim3A_16 : f32 to vector<16xf32>
    %swap3A_18 = arith.constant 32 : index
    %swap3A_19 = tpu.vector_load %arg5[%swap3A_18] {strides = array<i32>} : memref<128xf32, #tpu.memory_space<vmem>>, vector<16xf32>,
    %swap3A_20 = vector.shape_cast %swap3A_19 : vector<16xf32> to vector<16xf32>
    %swap3A_21 = vector.shape_cast %broadcast_in_dim3A_17 : vector<16xf32> to vector<16xf32>
    tpu.vector_store %arg5[%swap3A_18], %swap3A_21 {strides = array<i32>} : memref<128xf32, #tpu.memory_space<vmem>>, vector<16xf32>,
    %broadcast_in_dim3A_22 = arith.constant 1.000000e+00 : f32
    %broadcast_in_dim3A_23 = vector.broadcast %broadcast_in_dim3A_22 : f32 to vector<16xf32>
    %swap3A_24 = arith.constant 48 : index
    %swap3A_25 = tpu.vector_load %arg5[%swap3A_24] {strides = array<i32>} : memref<128xf32, #tpu.memory_space<vmem>>, vector<16xf32>,
    %swap3A_26 = vector.shape_cast %swap3A_25 : vector<16xf32> to vector<16xf32>
    %swap3A_27 = vector.shape_cast %broadcast_in_dim3A_23 : vector<16xf32> to vector<16xf32>
    tpu.vector_store %arg5[%swap3A_24], %swap3A_27 {strides = array<i32>} : memref<128xf32, #tpu.memory_space<vmem>>, vector<16xf32>,
    %broadcast_in_dim3A_28 = arith.constant 1.000000e+00 : f32
    %broadcast_in_dim3A_29 = vector.broadcast %broadcast_in_dim3A_28 : f32 to vector<16xf32>
    %swap3A_30 = arith.constant 64 : index
    %swap3A_31 = tpu.vector_load %arg5[%swap3A_30] {strides = array<i32>} : memref<128xf32, #tpu.memory_space<vmem>>, vector<16xf32>,
    %swap3A_32 = vector.shape_cast %swap3A_31 : vector<16xf32> to vector<16xf32>
    %swap3A_33 = vector.shape_cast %broadcast_in_dim3A_29 : vector<16xf32> to vector<16xf32>
    tpu.vector_store %arg5[%swap3A_30], %swap3A_33 {strides = array<i32>} : memref<128xf32, #tpu.memory_space<vmem>>, vector<16xf32>,
    %broadcast_in_dim3A_34 = arith.constant 1.000000e+00 : f32
    %broadcast_in_dim3A_35 = vector.broadcast %broadcast_in_dim3A_34 : f32 to vector<16xf32>
    %swap3A_36 = arith.constant 80 : index
    %swap3A_37 = tpu.vector_load %arg5[%swap3A_36] {strides = array<i32>} : memref<128xf32, #tpu.memory_space<vmem>>, vector<16xf32>,
    %swap3A_38 = vector.shape_cast %swap3A_37 : vector<16xf32> to vector<16xf32>
    %swap3A_39 = vector.shape_cast %broadcast_in_dim3A_35 : vector<16xf32> to vector<16xf32>
    tpu.vector_store %arg5[%swap3A_36], %swap3A_39 {strides = array<i32>} : memref<128xf32, #tpu.memory_space<vmem>>, vector<16xf32>,
    %broadcast_in_dim3A_40 = arith.constant 1.000000e+00 : f32
    %broadcast_in_dim3A_41 = vector.broadcast %broadcast_in_dim3A_40 : f32 to vector<16xf32>
    %swap3A_42 = arith.constant 96 : index
    %swap3A_43 = tpu.vector_load %arg5[%swap3A_42] {strides = array<i32>} : memref<128xf32, #tpu.memory_space<vmem>>, vector<16xf32>,
    %swap3A_44 = vector.shape_cast %swap3A_43 : vector<16xf32> to vector<16xf32>
    %swap3A_45 = vector.shape_cast %broadcast_in_dim3A_41 : vector<16xf32> to vector<16xf32>
    tpu.vector_store %arg5[%swap3A_42], %swap3A_45 {strides = array<i32>} : memref<128xf32, #tpu.memory_space<vmem>>, vector<16xf32>,
    %broadcast_in_dim3A_46 = arith.constant 1.000000e+00 : f32
    %broadcast_in_dim3A_47 = vector.broadcast %broadcast_in_dim3A_46 : f32 to vector<16xf32>
    %swap3A_48 = arith.constant 112 : index
    %swap3A_49 = tpu.vector_load %arg5[%swap3A_48] {strides = array<i32>} : memref<128xf32, #tpu.memory_space<vmem>>, vector<16xf32>,
    %swap3A_50 = vector.shape_cast %swap3A_49 : vector<16xf32> to vector<16xf32>
    %swap3A_51 = vector.shape_cast %broadcast_in_dim3A_47 : vector<16xf32> to vector<16xf32>
    tpu.vector_store %arg5[%swap3A_48], %swap3A_51 {strides = array<i32>} : memref<128xf32, #tpu.memory_space<vmem>>, vector<16xf32>,
    %mul3A_52 = arith.constant 640 : i32
    %mul3A_53 = arith.muli %arg1, %mul3A_52 : i32
    "tpu.region"() ({
      %run_scoped3A = tpu.sem_alloc : memref<!tpu.dma_semaphore, #tpu.memory_space<semaphore_mem>>
      %dma_start3A = tpu.memref_slice %arg7[%mul3A_53] : memref<10240xf32, #tpu.memory_space<vmem_shared>> -> memref<640xf32, #tpu.memory_space<vmem_shared>>
      %dma_start3A_65 = tpu.memref_slice %arg7[%mul3A_53] : memref<10240xf32, #tpu.memory_space<vmem_shared>> -> memref<640xf32, #tpu.memory_space<vmem_shared>>
      tpu.enqueue_dma source(%arg6 : memref<640xf32, #tpu.memory_space<vmem>>) target(%dma_start3A_65 : memref<640xf32, #tpu.memory_space<vmem_shared>>) target_semaphore(%run_scoped3A : memref<!tpu.dma_semaphore, #tpu.memory_space<semaphore_mem>>)
      %dma_wait3A = tpu.memref_slice %arg7[%mul3A_53] : memref<10240xf32, #tpu.memory_space<vmem_shared>> -> memref<640xf32, #tpu.memory_space<vmem_shared>>
      %dma_wait3A_66 = tpu.memref_slice %arg7[%mul3A_53] : memref<10240xf32, #tpu.memory_space<vmem_shared>> -> memref<640xf32, #tpu.memory_space<vmem_shared>>
      tpu.wait_dma2 semaphore(%run_scoped3A : memref<!tpu.dma_semaphore, #tpu.memory_space<semaphore_mem>>) src(%arg6 : memref<640xf32, #tpu.memory_space<vmem>>) dst(%dma_wait3A_66 : memref<640xf32, #tpu.memory_space<vmem_shared>>)
      tpu.yield
    }) : () -> ()
    %barrier3A = arith.constant 0 : index
    tpu.barrier barrier_id(%barrier3A)
    "tpu.region"() ({
      %run_scoped3A = tpu.sem_alloc : memref<!tpu.dma_semaphore, #tpu.memory_space<semaphore_mem>>
      %dma_start3A = arith.constant 0 : i32
      %dma_start3A_65 = arith.constant 0 : i32
      %dma_start3A_66 = tpu.memref_slice %arg2[%add3A, %dma_start3A, %dma_start3A_65] : memref<32x79x128xi32, #tpu.memory_space<hbm>> -> memref<1x79x128xi32, #tpu.memory_space<hbm>>
      %dma_start3A_67 = tpu.memref_squeeze %dma_start3A_66 : memref<1x79x128xi32, #tpu.memory_space<hbm>> -> memref<79x128xi32, #tpu.memory_space<hbm>>
      %dma_start3A_68 = arith.constant 0 : i32
      %dma_start3A_69 = arith.constant 0 : i32
      %dma_start3A_70 = tpu.memref_slice %arg2[%add3A, %dma_start3A_68, %dma_start3A_69] : memref<32x79x128xi32, #tpu.memory_space<hbm>> -> memref<1x79x128xi32, #tpu.memory_space<hbm>>
      %dma_start3A_71 = tpu.memref_squeeze %dma_start3A_70 : memref<1x79x128xi32, #tpu.memory_space<hbm>> -> memref<79x128xi32, #tpu.memory_space<hbm>>
      tpu.enqueue_dma source(%dma_start3A_71 : memref<79x128xi32, #tpu.memory_space<hbm>>) target(%arg4 : memref<79x128xi32, #tpu.memory_space<vmem>>) target_semaphore(%run_scoped3A : memref<!tpu.dma_semaphore, #tpu.memory_space<semaphore_mem>>)
      %dma_wait3A = arith.constant 0 : i32
      %dma_wait3A_72 = arith.constant 0 : i32
      %dma_wait3A_73 = tpu.memref_slice %arg2[%add3A, %dma_wait3A, %dma_wait3A_72] : memref<32x79x128xi32, #tpu.memory_space<hbm>> -> memref<1x79x128xi32, #tpu.memory_space<hbm>>
      %dma_wait3A_74 = tpu.memref_squeeze %dma_wait3A_73 : memref<1x79x128xi32, #tpu.memory_space<hbm>> -> memref<79x128xi32, #tpu.memory_space<hbm>>
      %dma_wait3A_75 = arith.constant 0 : i32
      %dma_wait3A_76 = arith.constant 0 : i32
      %dma_wait3A_77 = tpu.memref_slice %arg2[%add3A, %dma_wait3A_75, %dma_wait3A_76] : memref<32x79x128xi32, #tpu.memory_space<hbm>> -> memref<1x79x128xi32, #tpu.memory_space<hbm>>
      %dma_wait3A_78 = tpu.memref_squeeze %dma_wait3A_77 : memref<1x79x128xi32, #tpu.memory_space<hbm>> -> memref<79x128xi32, #tpu.memory_space<hbm>>
      tpu.wait_dma2 semaphore(%run_scoped3A : memref<!tpu.dma_semaphore, #tpu.memory_space<semaphore_mem>>) src(%dma_wait3A_78 : memref<79x128xi32, #tpu.memory_space<hbm>>) dst(%arg4 : memref<79x128xi32, #tpu.memory_space<vmem>>)
      tpu.yield
    }) : () -> ()
    %scan3A_54 = arith.constant 0 : i32
    %scan3A_55 = arith.constant 0 : i32
    %scan3A_56 = arith.constant 79 : i32
    %scan3A_57 = arith.addi %scan3A_55, %scan3A_56 : i32
    %scan3A_58 = arith.constant 1 : i32
    scf.for %scan3A_65 = %scan3A_55 to %scan3A_57 step %scan3A_58  : i32 {
      "tpu.region"() ({
        %run_scoped3A = tpu.sem_alloc : memref<!tpu.dma_semaphore, #tpu.memory_space<semaphore_mem>>
        %dma_start3A = arith.constant 0 : i32
        %dma_start3A_66 = tpu.memref_slice %arg4[%scan3A_65, %dma_start3A] : memref<79x128xi32, #tpu.memory_space<vmem>> -> memref<1x128xi32, #tpu.memory_space<vmem>>
        %dma_start3A_67 = tpu.memref_squeeze %dma_start3A_66 : memref<1x128xi32, #tpu.memory_space<vmem>> -> memref<128xi32, #tpu.memory_space<vmem>>
        %dma_start3A_68 = arith.constant 0 : i32
        %dma_start3A_69 = tpu.memref_slice %arg7[%dma_start3A_68] : memref<10240xf32, #tpu.memory_space<vmem_shared>> -> memref<10240xf32, #tpu.memory_space<vmem_shared>>
        tpu.enqueue_indirect_dma source(%arg5 : memref<128xf32, #tpu.memory_space<vmem>>) target(%dma_start3A_69 : memref<10240xf32, #tpu.memory_space<vmem_shared>>) offsets(%dma_start3A_67 : memref<128xi32, #tpu.memory_space<vmem>>) semaphore(%run_scoped3A : memref<!tpu.dma_semaphore, #tpu.memory_space<semaphore_mem>>) {add = true}
        %dma_wait3A = arith.constant 0 : i32
        %dma_wait3A_70 = tpu.memref_slice %arg4[%scan3A_65, %dma_wait3A] : memref<79x128xi32, #tpu.memory_space<vmem>> -> memref<1x128xi32, #tpu.memory_space<vmem>>
        %dma_wait3A_71 = tpu.memref_squeeze %dma_wait3A_70 : memref<1x128xi32, #tpu.memory_space<vmem>> -> memref<128xi32, #tpu.memory_space<vmem>>
        %dma_wait3A_72 = arith.constant 0 : i32
        %dma_wait3A_73 = tpu.memref_slice %arg7[%dma_wait3A_72] : memref<10240xf32, #tpu.memory_space<vmem_shared>> -> memref<10240xf32, #tpu.memory_space<vmem_shared>>
        tpu.wait_indirect_dma semaphore(%run_scoped3A : memref<!tpu.dma_semaphore, #tpu.memory_space<semaphore_mem>>) src(%arg5 : memref<128xf32, #tpu.memory_space<vmem>>) dst(%dma_wait3A_73 : memref<10240xf32, #tpu.memory_space<vmem_shared>>)
        tpu.yield
      }) : () -> ()
    }
    %scan3A_59 = arith.constant 79 : i32
    %barrier3A_60 = arith.constant 0 : index
    tpu.barrier barrier_id(%barrier3A_60)
    %mul3A_61 = arith.constant 640 : i32
    %mul3A_62 = arith.muli %arg1, %mul3A_61 : i32
    "tpu.region"() ({
      %run_scoped3A = tpu.sem_alloc : memref<!tpu.dma_semaphore, #tpu.memory_space<semaphore_mem>>
      %dma_start3A = tpu.memref_slice %arg7[%mul3A_62] : memref<10240xf32, #tpu.memory_space<vmem_shared>> -> memref<640xf32, #tpu.memory_space<vmem_shared>>
      %dma_start3A_65 = tpu.memref_slice %arg7[%mul3A_62] : memref<10240xf32, #tpu.memory_space<vmem_shared>> -> memref<640xf32, #tpu.memory_space<vmem_shared>>
      tpu.enqueue_dma source(%dma_start3A_65 : memref<640xf32, #tpu.memory_space<vmem_shared>>) target(%arg6 : memref<640xf32, #tpu.memory_space<vmem>>) target_semaphore(%run_scoped3A : memref<!tpu.dma_semaphore, #tpu.memory_space<semaphore_mem>>)
      %dma_wait3A = tpu.memref_slice %arg7[%mul3A_62] : memref<10240xf32, #tpu.memory_space<vmem_shared>> -> memref<640xf32, #tpu.memory_space<vmem_shared>>
      %dma_wait3A_66 = tpu.memref_slice %arg7[%mul3A_62] : memref<10240xf32, #tpu.memory_space<vmem_shared>> -> memref<640xf32, #tpu.memory_space<vmem_shared>>
      tpu.wait_dma2 semaphore(%run_scoped3A : memref<!tpu.dma_semaphore, #tpu.memory_space<semaphore_mem>>) src(%dma_wait3A_66 : memref<640xf32, #tpu.memory_space<vmem_shared>>) dst(%arg6 : memref<640xf32, #tpu.memory_space<vmem>>)
      tpu.yield
    }) : () -> ()
    %mul3A_63 = arith.constant 640 : i32
    %mul3A_64 = arith.muli %arg1, %mul3A_63 : i32
    "tpu.region"() ({
      %run_scoped3A = tpu.sem_alloc : memref<!tpu.dma_semaphore, #tpu.memory_space<semaphore_mem>>
      %dma_start3A = tpu.memref_slice %arg3[%arg0, %mul3A_64] : memref<2x10240xf32, #tpu.memory_space<hbm>> -> memref<1x640xf32, #tpu.memory_space<hbm>>
      %dma_start3A_65 = tpu.memref_squeeze %dma_start3A : memref<1x640xf32, #tpu.memory_space<hbm>> -> memref<640xf32, #tpu.memory_space<hbm>>
      %dma_start3A_66 = tpu.memref_slice %arg3[%arg0, %mul3A_64] : memref<2x10240xf32, #tpu.memory_space<hbm>> -> memref<1x640xf32, #tpu.memory_space<hbm>>
      %dma_start3A_67 = tpu.memref_squeeze %dma_start3A_66 : memref<1x640xf32, #tpu.memory_space<hbm>> -> memref<640xf32, #tpu.memory_space<hbm>>
      tpu.enqueue_dma source(%arg6 : memref<640xf32, #tpu.memory_space<vmem>>) target(%dma_start3A_67 : memref<640xf32, #tpu.memory_space<hbm>>) target_semaphore(%run_scoped3A : memref<!tpu.dma_semaphore, #tpu.memory_space<semaphore_mem>>)
      %dma_wait3A = tpu.memref_slice %arg3[%arg0, %mul3A_64] : memref<2x10240xf32, #tpu.memory_space<hbm>> -> memref<1x640xf32, #tpu.memory_space<hbm>>
      %dma_wait3A_68 = tpu.memref_squeeze %dma_wait3A : memref<1x640xf32, #tpu.memory_space<hbm>> -> memref<640xf32, #tpu.memory_space<hbm>>
      %dma_wait3A_69 = tpu.memref_slice %arg3[%arg0, %mul3A_64] : memref<2x10240xf32, #tpu.memory_space<hbm>> -> memref<1x640xf32, #tpu.memory_space<hbm>>
      %dma_wait3A_70 = tpu.memref_squeeze %dma_wait3A_69 : memref<1x640xf32, #tpu.memory_space<hbm>> -> memref<640xf32, #tpu.memory_space<hbm>>
      tpu.wait_dma2 semaphore(%run_scoped3A : memref<!tpu.dma_semaphore, #tpu.memory_space<semaphore_mem>>) src(%arg6 : memref<640xf32, #tpu.memory_space<vmem>>) dst(%dma_wait3A_70 : memref<640xf32, #tpu.memory_space<hbm>>)
      tpu.yield
    }) : () -> ()
    return
  }
}

#map = affine_map<(d0, d1) -> (0, 0)>
#map1 = affine_map<(d0, d1) -> (0, 0, 0)>
module attributes {stable_mosaic.version = 14 : i64} {
  func.func @_spmm_call(%arg0: i32, %arg1: i32, %arg2: memref<10240x64xf32, #tpu.memory_space<hbm>>, %arg3: memref<32x79x128xi32, #tpu.memory_space<hbm>>, %arg4: memref<32x79x128xi32, #tpu.memory_space<hbm>>, %arg5: memref<2x10240x64xf32, #tpu.memory_space<hbm>>, %arg6: memref<79x128xi32, #tpu.memory_space<vmem>>, %arg7: memref<79x128xi32, #tpu.memory_space<vmem>>, %arg8: memref<128x64xf32, #tpu.memory_space<vmem>>, %arg9: memref<640x64xf32, #tpu.memory_space<vmem>>, %arg10: memref<10240x64xf32, #tpu.memory_space<vmem_shared>>, %arg11: memref<!tpu.dma_semaphore, #tpu.memory_space<semaphore_mem>>) attributes {dimension_semantics = [#tpu.dimension_semantics<core_parallel>, #tpu.dimension_semantics<subcore_parallel>], iteration_bounds = array<i64: 2, 16>, scalar_prefetch = 0 : i64, scratch_operands = 6 : i64, tpu.core_type = #tpu.core_type<sc_vector_subcore>, window_params = [{transform_indices = #map}, {transform_indices = #map1}, {transform_indices = #map1}, {transform_indices = #map1}]} {
    %mul3A = arith.constant 16 : i32
    %mul3A_0 = arith.muli %arg0, %mul3A : i32
    %add3A = arith.addi %mul3A_0, %arg1 : i32
    %scan3A = arith.constant 0 : i32
    %scan3A_1 = arith.constant 0 : i32
    %scan3A_2 = arith.constant 640 : i32
    %scan3A_3 = arith.addi %scan3A_1, %scan3A_2 : i32
    %scan3A_4 = arith.constant 1 : i32
    scf.for %scan3A_19 = %scan3A_1 to %scan3A_3 step %scan3A_4  : i32 {
      %broadcast_in_dim3A = arith.constant 0.000000e+00 : f32
      %broadcast_in_dim3A_20 = vector.broadcast %broadcast_in_dim3A : f32 to vector<16xf32>
      %swap3A = arith.index_cast %scan3A_19 : i32 to index
      %swap3A_21 = arith.constant 0 : index
      %swap3A_22 = tpu.vector_load %arg9[%swap3A, %swap3A_21] {strides = array<i32>} : memref<640x64xf32, #tpu.memory_space<vmem>>, vector<1x16xf32>,
      %swap3A_23 = vector.shape_cast %swap3A_22 : vector<1x16xf32> to vector<16xf32>
      %swap3A_24 = vector.shape_cast %broadcast_in_dim3A_20 : vector<16xf32> to vector<1x16xf32>
      tpu.vector_store %arg9[%swap3A, %swap3A_21], %swap3A_24 {strides = array<i32>} : memref<640x64xf32, #tpu.memory_space<vmem>>, vector<1x16xf32>,
      %broadcast_in_dim3A_25 = arith.constant 0.000000e+00 : f32
      %broadcast_in_dim3A_26 = vector.broadcast %broadcast_in_dim3A_25 : f32 to vector<16xf32>
      %swap3A_27 = arith.index_cast %scan3A_19 : i32 to index
      %swap3A_28 = arith.constant 16 : index
      %swap3A_29 = tpu.vector_load %arg9[%swap3A_27, %swap3A_28] {strides = array<i32>} : memref<640x64xf32, #tpu.memory_space<vmem>>, vector<1x16xf32>,
      %swap3A_30 = vector.shape_cast %swap3A_29 : vector<1x16xf32> to vector<16xf32>
      %swap3A_31 = vector.shape_cast %broadcast_in_dim3A_26 : vector<16xf32> to vector<1x16xf32>
      tpu.vector_store %arg9[%swap3A_27, %swap3A_28], %swap3A_31 {strides = array<i32>} : memref<640x64xf32, #tpu.memory_space<vmem>>, vector<1x16xf32>,
      %broadcast_in_dim3A_32 = arith.constant 0.000000e+00 : f32
      %broadcast_in_dim3A_33 = vector.broadcast %broadcast_in_dim3A_32 : f32 to vector<16xf32>
      %swap3A_34 = arith.index_cast %scan3A_19 : i32 to index
      %swap3A_35 = arith.constant 32 : index
      %swap3A_36 = tpu.vector_load %arg9[%swap3A_34, %swap3A_35] {strides = array<i32>} : memref<640x64xf32, #tpu.memory_space<vmem>>, vector<1x16xf32>,
      %swap3A_37 = vector.shape_cast %swap3A_36 : vector<1x16xf32> to vector<16xf32>
      %swap3A_38 = vector.shape_cast %broadcast_in_dim3A_33 : vector<16xf32> to vector<1x16xf32>
      tpu.vector_store %arg9[%swap3A_34, %swap3A_35], %swap3A_38 {strides = array<i32>} : memref<640x64xf32, #tpu.memory_space<vmem>>, vector<1x16xf32>,
      %broadcast_in_dim3A_39 = arith.constant 0.000000e+00 : f32
      %broadcast_in_dim3A_40 = vector.broadcast %broadcast_in_dim3A_39 : f32 to vector<16xf32>
      %swap3A_41 = arith.index_cast %scan3A_19 : i32 to index
      %swap3A_42 = arith.constant 48 : index
      %swap3A_43 = tpu.vector_load %arg9[%swap3A_41, %swap3A_42] {strides = array<i32>} : memref<640x64xf32, #tpu.memory_space<vmem>>, vector<1x16xf32>,
      %swap3A_44 = vector.shape_cast %swap3A_43 : vector<1x16xf32> to vector<16xf32>
      %swap3A_45 = vector.shape_cast %broadcast_in_dim3A_40 : vector<16xf32> to vector<1x16xf32>
      tpu.vector_store %arg9[%swap3A_41, %swap3A_42], %swap3A_45 {strides = array<i32>} : memref<640x64xf32, #tpu.memory_space<vmem>>, vector<1x16xf32>,
    }
    %scan3A_5 = arith.constant 640 : i32
    %mul3A_6 = arith.constant 640 : i32
    %mul3A_7 = arith.muli %arg1, %mul3A_6 : i32
    "tpu.region"() ({
      %run_scoped3A = tpu.sem_alloc : memref<!tpu.dma_semaphore, #tpu.memory_space<semaphore_mem>>
      %dma_start3A = arith.constant 0 : i32
      %dma_start3A_19 = tpu.memref_slice %arg10[%mul3A_7, %dma_start3A] : memref<10240x64xf32, #tpu.memory_space<vmem_shared>> -> memref<640x64xf32, #tpu.memory_space<vmem_shared>>
      %dma_start3A_20 = arith.constant 0 : i32
      %dma_start3A_21 = tpu.memref_slice %arg10[%mul3A_7, %dma_start3A_20] : memref<10240x64xf32, #tpu.memory_space<vmem_shared>> -> memref<640x64xf32, #tpu.memory_space<vmem_shared>>
      tpu.enqueue_dma source(%arg9 : memref<640x64xf32, #tpu.memory_space<vmem>>) target(%dma_start3A_21 : memref<640x64xf32, #tpu.memory_space<vmem_shared>>) target_semaphore(%run_scoped3A : memref<!tpu.dma_semaphore, #tpu.memory_space<semaphore_mem>>)
      %dma_wait3A = arith.constant 0 : i32
      %dma_wait3A_22 = tpu.memref_slice %arg10[%mul3A_7, %dma_wait3A] : memref<10240x64xf32, #tpu.memory_space<vmem_shared>> -> memref<640x64xf32, #tpu.memory_space<vmem_shared>>
      %dma_wait3A_23 = arith.constant 0 : i32
      %dma_wait3A_24 = tpu.memref_slice %arg10[%mul3A_7, %dma_wait3A_23] : memref<10240x64xf32, #tpu.memory_space<vmem_shared>> -> memref<640x64xf32, #tpu.memory_space<vmem_shared>>
      tpu.wait_dma2 semaphore(%run_scoped3A : memref<!tpu.dma_semaphore, #tpu.memory_space<semaphore_mem>>) src(%arg9 : memref<640x64xf32, #tpu.memory_space<vmem>>) dst(%dma_wait3A_24 : memref<640x64xf32, #tpu.memory_space<vmem_shared>>)
      tpu.yield
    }) : () -> ()
    %barrier3A = arith.constant 0 : index
    tpu.barrier barrier_id(%barrier3A)
    "tpu.region"() ({
      %run_scoped3A = tpu.sem_alloc : memref<!tpu.dma_semaphore, #tpu.memory_space<semaphore_mem>>
      %dma_start3A = arith.constant 0 : i32
      %dma_start3A_19 = arith.constant 0 : i32
      %dma_start3A_20 = tpu.memref_slice %arg3[%add3A, %dma_start3A, %dma_start3A_19] : memref<32x79x128xi32, #tpu.memory_space<hbm>> -> memref<1x79x128xi32, #tpu.memory_space<hbm>>
      %dma_start3A_21 = tpu.memref_squeeze %dma_start3A_20 : memref<1x79x128xi32, #tpu.memory_space<hbm>> -> memref<79x128xi32, #tpu.memory_space<hbm>>
      %dma_start3A_22 = arith.constant 0 : i32
      %dma_start3A_23 = arith.constant 0 : i32
      %dma_start3A_24 = tpu.memref_slice %arg3[%add3A, %dma_start3A_22, %dma_start3A_23] : memref<32x79x128xi32, #tpu.memory_space<hbm>> -> memref<1x79x128xi32, #tpu.memory_space<hbm>>
      %dma_start3A_25 = tpu.memref_squeeze %dma_start3A_24 : memref<1x79x128xi32, #tpu.memory_space<hbm>> -> memref<79x128xi32, #tpu.memory_space<hbm>>
      tpu.enqueue_dma source(%dma_start3A_25 : memref<79x128xi32, #tpu.memory_space<hbm>>) target(%arg6 : memref<79x128xi32, #tpu.memory_space<vmem>>) target_semaphore(%run_scoped3A : memref<!tpu.dma_semaphore, #tpu.memory_space<semaphore_mem>>)
      %dma_wait3A = arith.constant 0 : i32
      %dma_wait3A_26 = arith.constant 0 : i32
      %dma_wait3A_27 = tpu.memref_slice %arg3[%add3A, %dma_wait3A, %dma_wait3A_26] : memref<32x79x128xi32, #tpu.memory_space<hbm>> -> memref<1x79x128xi32, #tpu.memory_space<hbm>>
      %dma_wait3A_28 = tpu.memref_squeeze %dma_wait3A_27 : memref<1x79x128xi32, #tpu.memory_space<hbm>> -> memref<79x128xi32, #tpu.memory_space<hbm>>
      %dma_wait3A_29 = arith.constant 0 : i32
      %dma_wait3A_30 = arith.constant 0 : i32
      %dma_wait3A_31 = tpu.memref_slice %arg3[%add3A, %dma_wait3A_29, %dma_wait3A_30] : memref<32x79x128xi32, #tpu.memory_space<hbm>> -> memref<1x79x128xi32, #tpu.memory_space<hbm>>
      %dma_wait3A_32 = tpu.memref_squeeze %dma_wait3A_31 : memref<1x79x128xi32, #tpu.memory_space<hbm>> -> memref<79x128xi32, #tpu.memory_space<hbm>>
      tpu.wait_dma2 semaphore(%run_scoped3A : memref<!tpu.dma_semaphore, #tpu.memory_space<semaphore_mem>>) src(%dma_wait3A_32 : memref<79x128xi32, #tpu.memory_space<hbm>>) dst(%arg6 : memref<79x128xi32, #tpu.memory_space<vmem>>)
      tpu.yield
    }) : () -> ()
    "tpu.region"() ({
      %run_scoped3A = tpu.sem_alloc : memref<!tpu.dma_semaphore, #tpu.memory_space<semaphore_mem>>
      %dma_start3A = arith.constant 0 : i32
      %dma_start3A_19 = arith.constant 0 : i32
      %dma_start3A_20 = tpu.memref_slice %arg4[%add3A, %dma_start3A, %dma_start3A_19] : memref<32x79x128xi32, #tpu.memory_space<hbm>> -> memref<1x79x128xi32, #tpu.memory_space<hbm>>
      %dma_start3A_21 = tpu.memref_squeeze %dma_start3A_20 : memref<1x79x128xi32, #tpu.memory_space<hbm>> -> memref<79x128xi32, #tpu.memory_space<hbm>>
      %dma_start3A_22 = arith.constant 0 : i32
      %dma_start3A_23 = arith.constant 0 : i32
      %dma_start3A_24 = tpu.memref_slice %arg4[%add3A, %dma_start3A_22, %dma_start3A_23] : memref<32x79x128xi32, #tpu.memory_space<hbm>> -> memref<1x79x128xi32, #tpu.memory_space<hbm>>
      %dma_start3A_25 = tpu.memref_squeeze %dma_start3A_24 : memref<1x79x128xi32, #tpu.memory_space<hbm>> -> memref<79x128xi32, #tpu.memory_space<hbm>>
      tpu.enqueue_dma source(%dma_start3A_25 : memref<79x128xi32, #tpu.memory_space<hbm>>) target(%arg7 : memref<79x128xi32, #tpu.memory_space<vmem>>) target_semaphore(%run_scoped3A : memref<!tpu.dma_semaphore, #tpu.memory_space<semaphore_mem>>)
      %dma_wait3A = arith.constant 0 : i32
      %dma_wait3A_26 = arith.constant 0 : i32
      %dma_wait3A_27 = tpu.memref_slice %arg4[%add3A, %dma_wait3A, %dma_wait3A_26] : memref<32x79x128xi32, #tpu.memory_space<hbm>> -> memref<1x79x128xi32, #tpu.memory_space<hbm>>
      %dma_wait3A_28 = tpu.memref_squeeze %dma_wait3A_27 : memref<1x79x128xi32, #tpu.memory_space<hbm>> -> memref<79x128xi32, #tpu.memory_space<hbm>>
      %dma_wait3A_29 = arith.constant 0 : i32
      %dma_wait3A_30 = arith.constant 0 : i32
      %dma_wait3A_31 = tpu.memref_slice %arg4[%add3A, %dma_wait3A_29, %dma_wait3A_30] : memref<32x79x128xi32, #tpu.memory_space<hbm>> -> memref<1x79x128xi32, #tpu.memory_space<hbm>>
      %dma_wait3A_32 = tpu.memref_squeeze %dma_wait3A_31 : memref<1x79x128xi32, #tpu.memory_space<hbm>> -> memref<79x128xi32, #tpu.memory_space<hbm>>
      tpu.wait_dma2 semaphore(%run_scoped3A : memref<!tpu.dma_semaphore, #tpu.memory_space<semaphore_mem>>) src(%dma_wait3A_32 : memref<79x128xi32, #tpu.memory_space<hbm>>) dst(%arg7 : memref<79x128xi32, #tpu.memory_space<vmem>>)
      tpu.yield
    }) : () -> ()
    %scan3A_8 = arith.constant 0 : i32
    %scan3A_9 = arith.constant 0 : i32
    %scan3A_10 = arith.constant 79 : i32
    %scan3A_11 = arith.addi %scan3A_9, %scan3A_10 : i32
    %scan3A_12 = arith.constant 1 : i32
    scf.for %scan3A_19 = %scan3A_9 to %scan3A_11 step %scan3A_12  : i32 {
      %dma_start3A = arith.constant 0 : i32
      %dma_start3A_20 = tpu.memref_slice %arg6[%scan3A_19, %dma_start3A] : memref<79x128xi32, #tpu.memory_space<vmem>> -> memref<1x128xi32, #tpu.memory_space<vmem>>
      %dma_start3A_21 = tpu.memref_squeeze %dma_start3A_20 : memref<1x128xi32, #tpu.memory_space<vmem>> -> memref<128xi32, #tpu.memory_space<vmem>>
      %dma_start3A_22 = arith.constant 0 : i32
      %dma_start3A_23 = arith.constant 0 : i32
      %dma_start3A_24 = tpu.memref_slice %arg2[%dma_start3A_22, %dma_start3A_23] : memref<10240x64xf32, #tpu.memory_space<hbm>> -> memref<10240x64xf32, #tpu.memory_space<hbm>>
      tpu.enqueue_indirect_dma source(%dma_start3A_24 : memref<10240x64xf32, #tpu.memory_space<hbm>>) target(%arg8 : memref<128x64xf32, #tpu.memory_space<vmem>>) offsets(%dma_start3A_21 : memref<128xi32, #tpu.memory_space<vmem>>) semaphore(%arg11 : memref<!tpu.dma_semaphore, #tpu.memory_space<semaphore_mem>>)
      %dma_wait3A = arith.constant 0 : i32
      %dma_wait3A_25 = tpu.memref_slice %arg6[%scan3A_19, %dma_wait3A] : memref<79x128xi32, #tpu.memory_space<vmem>> -> memref<1x128xi32, #tpu.memory_space<vmem>>
      %dma_wait3A_26 = tpu.memref_squeeze %dma_wait3A_25 : memref<1x128xi32, #tpu.memory_space<vmem>> -> memref<128xi32, #tpu.memory_space<vmem>>
      %dma_wait3A_27 = arith.constant 0 : i32
      %dma_wait3A_28 = arith.constant 0 : i32
      %dma_wait3A_29 = tpu.memref_slice %arg2[%dma_wait3A_27, %dma_wait3A_28] : memref<10240x64xf32, #tpu.memory_space<hbm>> -> memref<10240x64xf32, #tpu.memory_space<hbm>>
      tpu.wait_indirect_dma semaphore(%arg11 : memref<!tpu.dma_semaphore, #tpu.memory_space<semaphore_mem>>) src(%dma_wait3A_29 : memref<10240x64xf32, #tpu.memory_space<hbm>>) dst(%arg8 : memref<128x64xf32, #tpu.memory_space<vmem>>)
      "tpu.region"() ({
        %run_scoped3A = tpu.sem_alloc : memref<!tpu.dma_semaphore, #tpu.memory_space<semaphore_mem>>
        %dma_start3A_30 = arith.constant 0 : i32
        %dma_start3A_31 = tpu.memref_slice %arg7[%scan3A_19, %dma_start3A_30] : memref<79x128xi32, #tpu.memory_space<vmem>> -> memref<1x128xi32, #tpu.memory_space<vmem>>
        %dma_start3A_32 = tpu.memref_squeeze %dma_start3A_31 : memref<1x128xi32, #tpu.memory_space<vmem>> -> memref<128xi32, #tpu.memory_space<vmem>>
        %dma_start3A_33 = arith.constant 0 : i32
        %dma_start3A_34 = arith.constant 0 : i32
        %dma_start3A_35 = tpu.memref_slice %arg10[%dma_start3A_33, %dma_start3A_34] : memref<10240x64xf32, #tpu.memory_space<vmem_shared>> -> memref<10240x64xf32, #tpu.memory_space<vmem_shared>>
        tpu.enqueue_indirect_dma source(%arg8 : memref<128x64xf32, #tpu.memory_space<vmem>>) target(%dma_start3A_35 : memref<10240x64xf32, #tpu.memory_space<vmem_shared>>) offsets(%dma_start3A_32 : memref<128xi32, #tpu.memory_space<vmem>>) semaphore(%run_scoped3A : memref<!tpu.dma_semaphore, #tpu.memory_space<semaphore_mem>>) {add = true}
        %dma_wait3A_36 = arith.constant 0 : i32
        %dma_wait3A_37 = tpu.memref_slice %arg7[%scan3A_19, %dma_wait3A_36] : memref<79x128xi32, #tpu.memory_space<vmem>> -> memref<1x128xi32, #tpu.memory_space<vmem>>
        %dma_wait3A_38 = tpu.memref_squeeze %dma_wait3A_37 : memref<1x128xi32, #tpu.memory_space<vmem>> -> memref<128xi32, #tpu.memory_space<vmem>>
        %dma_wait3A_39 = arith.constant 0 : i32
        %dma_wait3A_40 = arith.constant 0 : i32
        %dma_wait3A_41 = tpu.memref_slice %arg10[%dma_wait3A_39, %dma_wait3A_40] : memref<10240x64xf32, #tpu.memory_space<vmem_shared>> -> memref<10240x64xf32, #tpu.memory_space<vmem_shared>>
        tpu.wait_indirect_dma semaphore(%run_scoped3A : memref<!tpu.dma_semaphore, #tpu.memory_space<semaphore_mem>>) src(%arg8 : memref<128x64xf32, #tpu.memory_space<vmem>>) dst(%dma_wait3A_41 : memref<10240x64xf32, #tpu.memory_space<vmem_shared>>)
        tpu.yield
      }) : () -> ()
    }
    %scan3A_13 = arith.constant 79 : i32
    %barrier3A_14 = arith.constant 0 : index
    tpu.barrier barrier_id(%barrier3A_14)
    %mul3A_15 = arith.constant 640 : i32
    %mul3A_16 = arith.muli %arg1, %mul3A_15 : i32
    "tpu.region"() ({
      %run_scoped3A = tpu.sem_alloc : memref<!tpu.dma_semaphore, #tpu.memory_space<semaphore_mem>>
      %dma_start3A = arith.constant 0 : i32
      %dma_start3A_19 = tpu.memref_slice %arg10[%mul3A_16, %dma_start3A] : memref<10240x64xf32, #tpu.memory_space<vmem_shared>> -> memref<640x64xf32, #tpu.memory_space<vmem_shared>>
      %dma_start3A_20 = arith.constant 0 : i32
      %dma_start3A_21 = tpu.memref_slice %arg10[%mul3A_16, %dma_start3A_20] : memref<10240x64xf32, #tpu.memory_space<vmem_shared>> -> memref<640x64xf32, #tpu.memory_space<vmem_shared>>
      tpu.enqueue_dma source(%dma_start3A_21 : memref<640x64xf32, #tpu.memory_space<vmem_shared>>) target(%arg9 : memref<640x64xf32, #tpu.memory_space<vmem>>) target_semaphore(%run_scoped3A : memref<!tpu.dma_semaphore, #tpu.memory_space<semaphore_mem>>)
      %dma_wait3A = arith.constant 0 : i32
      %dma_wait3A_22 = tpu.memref_slice %arg10[%mul3A_16, %dma_wait3A] : memref<10240x64xf32, #tpu.memory_space<vmem_shared>> -> memref<640x64xf32, #tpu.memory_space<vmem_shared>>
      %dma_wait3A_23 = arith.constant 0 : i32
      %dma_wait3A_24 = tpu.memref_slice %arg10[%mul3A_16, %dma_wait3A_23] : memref<10240x64xf32, #tpu.memory_space<vmem_shared>> -> memref<640x64xf32, #tpu.memory_space<vmem_shared>>
      tpu.wait_dma2 semaphore(%run_scoped3A : memref<!tpu.dma_semaphore, #tpu.memory_space<semaphore_mem>>) src(%dma_wait3A_24 : memref<640x64xf32, #tpu.memory_space<vmem_shared>>) dst(%arg9 : memref<640x64xf32, #tpu.memory_space<vmem>>)
      tpu.yield
    }) : () -> ()
    %mul3A_17 = arith.constant 640 : i32
    %mul3A_18 = arith.muli %arg1, %mul3A_17 : i32
    "tpu.region"() ({
      %run_scoped3A = tpu.sem_alloc : memref<!tpu.dma_semaphore, #tpu.memory_space<semaphore_mem>>
      %dma_start3A = arith.constant 0 : i32
      %dma_start3A_19 = tpu.memref_slice %arg5[%arg0, %mul3A_18, %dma_start3A] : memref<2x10240x64xf32, #tpu.memory_space<hbm>> -> memref<1x640x64xf32, #tpu.memory_space<hbm>>
      %dma_start3A_20 = tpu.memref_squeeze %dma_start3A_19 : memref<1x640x64xf32, #tpu.memory_space<hbm>> -> memref<640x64xf32, #tpu.memory_space<hbm>>
      %dma_start3A_21 = arith.constant 0 : i32
      %dma_start3A_22 = tpu.memref_slice %arg5[%arg0, %mul3A_18, %dma_start3A_21] : memref<2x10240x64xf32, #tpu.memory_space<hbm>> -> memref<1x640x64xf32, #tpu.memory_space<hbm>>
      %dma_start3A_23 = tpu.memref_squeeze %dma_start3A_22 : memref<1x640x64xf32, #tpu.memory_space<hbm>> -> memref<640x64xf32, #tpu.memory_space<hbm>>
      tpu.enqueue_dma source(%arg9 : memref<640x64xf32, #tpu.memory_space<vmem>>) target(%dma_start3A_23 : memref<640x64xf32, #tpu.memory_space<hbm>>) target_semaphore(%run_scoped3A : memref<!tpu.dma_semaphore, #tpu.memory_space<semaphore_mem>>)
      %dma_wait3A = arith.constant 0 : i32
      %dma_wait3A_24 = tpu.memref_slice %arg5[%arg0, %mul3A_18, %dma_wait3A] : memref<2x10240x64xf32, #tpu.memory_space<hbm>> -> memref<1x640x64xf32, #tpu.memory_space<hbm>>
      %dma_wait3A_25 = tpu.memref_squeeze %dma_wait3A_24 : memref<1x640x64xf32, #tpu.memory_space<hbm>> -> memref<640x64xf32, #tpu.memory_space<hbm>>
      %dma_wait3A_26 = arith.constant 0 : i32
      %dma_wait3A_27 = tpu.memref_slice %arg5[%arg0, %mul3A_18, %dma_wait3A_26] : memref<2x10240x64xf32, #tpu.memory_space<hbm>> -> memref<1x640x64xf32, #tpu.memory_space<hbm>>
      %dma_wait3A_28 = tpu.memref_squeeze %dma_wait3A_27 : memref<1x640x64xf32, #tpu.memory_space<hbm>> -> memref<640x64xf32, #tpu.memory_space<hbm>>
      tpu.wait_dma2 semaphore(%run_scoped3A : memref<!tpu.dma_semaphore, #tpu.memory_space<semaphore_mem>>) src(%arg9 : memref<640x64xf32, #tpu.memory_space<vmem>>) dst(%dma_wait3A_28 : memref<640x64xf32, #tpu.memory_space<hbm>>)
      tpu.yield
    }) : () -> ()
    return
  }
}

module attributes {stable_mosaic.version = 14 : i64} {
  func.func @_prep_body(%arg0: memref<10240x128xf32, #tpu.memory_space<vmem>>, %arg1: memref<128x64xf32, #tpu.memory_space<vmem>>, %arg2: memref<2x10240x1xf32, #tpu.memory_space<vmem>>, %arg3: memref<10240x64xf32, #tpu.memory_space<vmem>>, %arg4: memref<10240x1xf32, #tpu.memory_space<vmem>>) attributes {dimension_semantics = [], scalar_prefetch = 0 : i64, scratch_operands = 0 : i64, tpu.core_type = #tpu.core_type<tc>} {
    %get3A = arith.constant 0 : index
    %get3A_0 = arith.constant 0 : index
    %get3A_1 = arith.constant 0 : index
    %get3A_2 = vector.load %arg2[%get3A, %get3A_0, %get3A_1] : memref<2x10240x1xf32, #tpu.memory_space<vmem>>, vector<1x10240x1xf32>
    %get3A_3 = vector.shape_cast %get3A_2 : vector<1x10240x1xf32> to vector<10240x1xf32>
    %get3A_4 = arith.constant 1 : index
    %get3A_5 = arith.constant 0 : index
    %get3A_6 = arith.constant 0 : index
    %get3A_7 = vector.load %arg2[%get3A_4, %get3A_5, %get3A_6] : memref<2x10240x1xf32, #tpu.memory_space<vmem>>, vector<1x10240x1xf32>
    %get3A_8 = vector.shape_cast %get3A_7 : vector<1x10240x1xf32> to vector<10240x1xf32>
    %add3A = arith.addf %get3A_3, %get3A_8 : vector<10240x1xf32>
    %add3A_9 = arith.constant 1.000000e+00 : f32
    %add3A_10 = vector.broadcast %add3A_9 : f32 to vector<10240x1xf32>
    %add3A_11 = arith.addf %add3A, %add3A_10 : vector<10240x1xf32>
    %rsqrt3A = math.rsqrt %add3A_11 : vector<10240x1xf32>
    %get3A_12 = arith.constant 0 : index
    %get3A_13 = arith.constant 0 : index
    %get3A_14 = vector.load %arg0[%get3A_12, %get3A_13] : memref<10240x128xf32, #tpu.memory_space<vmem>>, vector<10240x128xf32>
    %get3A_15 = arith.constant 0 : index
    %get3A_16 = arith.constant 0 : index
    %get3A_17 = vector.load %arg1[%get3A_15, %get3A_16] : memref<128x64xf32, #tpu.memory_space<vmem>>, vector<128x64xf32>
    %dot_general3A = arith.constant dense<0.000000e+00> : vector<10240x64xf32>
    %dot_general3A_18 = tpu.matmul %get3A_14, %get3A_17, %dot_general3A {dimension_numbers = #tpu.dot_dimension_numbers<[1], [0], [0], [1], [0, 0, 1, 1], [], []>, transpose_lhs_hint = false} : vector<10240x128xf32>, vector<128x64xf32>, vector<10240x64xf32> -> vector<10240x64xf32>
    %mul3A = vector.broadcast %rsqrt3A : vector<10240x1xf32> to vector<10240x64xf32>
    %mul3A_19 = arith.mulf %dot_general3A_18, %mul3A : vector<10240x64xf32>
    %swap3A = arith.constant 0 : index
    %swap3A_20 = arith.constant 0 : index
    %swap3A_21 = vector.load %arg3[%swap3A, %swap3A_20] : memref<10240x64xf32, #tpu.memory_space<vmem>>, vector<10240x64xf32>
    tpu.vector_store %arg3[%swap3A, %swap3A_20], %mul3A_19 {strides = array<i32>} : memref<10240x64xf32, #tpu.memory_space<vmem>>, vector<10240x64xf32>,
    %swap3A_22 = arith.constant 0 : index
    %swap3A_23 = arith.constant 0 : index
    %swap3A_24 = vector.load %arg4[%swap3A_22, %swap3A_23] : memref<10240x1xf32, #tpu.memory_space<vmem>>, vector<10240x1xf32>
    tpu.vector_store %arg4[%swap3A_22, %swap3A_23], %rsqrt3A {strides = array<i32>} : memref<10240x1xf32, #tpu.memory_space<vmem>>, vector<10240x1xf32>,
    return
  }
}

module attributes {stable_mosaic.version = 14 : i64} {
  func.func @_mid_body(%arg0: memref<2x10240x64xf32, #tpu.memory_space<vmem>>, %arg1: memref<10240x64xf32, #tpu.memory_space<vmem>>, %arg2: memref<10240x1xf32, #tpu.memory_space<vmem>>, %arg3: memref<1x64xf32, #tpu.memory_space<vmem>>, %arg4: memref<64x64xf32, #tpu.memory_space<vmem>>, %arg5: memref<10240x64xf32, #tpu.memory_space<vmem>>) attributes {dimension_semantics = [], scalar_prefetch = 0 : i64, scratch_operands = 0 : i64, tpu.core_type = #tpu.core_type<tc>} {
    %get3A = arith.constant 0 : index
    %get3A_0 = arith.constant 0 : index
    %get3A_1 = vector.load %arg2[%get3A, %get3A_0] : memref<10240x1xf32, #tpu.memory_space<vmem>>, vector<10240x1xf32>
    %get3A_2 = arith.constant 0 : index
    %get3A_3 = arith.constant 0 : index
    %get3A_4 = arith.constant 0 : index
    %get3A_5 = vector.load %arg0[%get3A_2, %get3A_3, %get3A_4] : memref<2x10240x64xf32, #tpu.memory_space<vmem>>, vector<1x10240x64xf32>
    %get3A_6 = vector.shape_cast %get3A_5 : vector<1x10240x64xf32> to vector<10240x64xf32>
    %get3A_7 = arith.constant 1 : index
    %get3A_8 = arith.constant 0 : index
    %get3A_9 = arith.constant 0 : index
    %get3A_10 = vector.load %arg0[%get3A_7, %get3A_8, %get3A_9] : memref<2x10240x64xf32, #tpu.memory_space<vmem>>, vector<1x10240x64xf32>
    %get3A_11 = vector.shape_cast %get3A_10 : vector<1x10240x64xf32> to vector<10240x64xf32>
    %add3A = arith.addf %get3A_6, %get3A_11 : vector<10240x64xf32>
    %get3A_12 = arith.constant 0 : index
    %get3A_13 = arith.constant 0 : index
    %get3A_14 = vector.load %arg1[%get3A_12, %get3A_13] : memref<10240x64xf32, #tpu.memory_space<vmem>>, vector<10240x64xf32>
    %add3A_15 = arith.addf %add3A, %get3A_14 : vector<10240x64xf32>
    %mul3A = vector.broadcast %get3A_1 : vector<10240x1xf32> to vector<10240x64xf32>
    %mul3A_16 = arith.mulf %add3A_15, %mul3A : vector<10240x64xf32>
    %get3A_17 = arith.constant 0 : index
    %get3A_18 = arith.constant 0 : index
    %get3A_19 = vector.load %arg3[%get3A_17, %get3A_18] : memref<1x64xf32, #tpu.memory_space<vmem>>, vector<1x64xf32>
    %add3A_20 = vector.broadcast %get3A_19 : vector<1x64xf32> to vector<10240x64xf32>
    %add3A_21 = arith.addf %mul3A_16, %add3A_20 : vector<10240x64xf32>
    %max3A = arith.constant 0.000000e+00 : f32
    %max3A_22 = vector.broadcast %max3A : f32 to vector<10240x64xf32>
    %max3A_23 = arith.maximumf %add3A_21, %max3A_22 : vector<10240x64xf32>
    %get3A_24 = arith.constant 0 : index
    %get3A_25 = arith.constant 0 : index
    %get3A_26 = vector.load %arg4[%get3A_24, %get3A_25] : memref<64x64xf32, #tpu.memory_space<vmem>>, vector<64x64xf32>
    %dot_general3A = arith.constant dense<0.000000e+00> : vector<10240x64xf32>
    %dot_general3A_27 = tpu.matmul %max3A_23, %get3A_26, %dot_general3A {dimension_numbers = #tpu.dot_dimension_numbers<[1], [0], [0], [1], [0, 0, 1, 1], [], []>, transpose_lhs_hint = false} : vector<10240x64xf32>, vector<64x64xf32>, vector<10240x64xf32> -> vector<10240x64xf32>
    %mul3A_28 = vector.broadcast %get3A_1 : vector<10240x1xf32> to vector<10240x64xf32>
    %mul3A_29 = arith.mulf %dot_general3A_27, %mul3A_28 : vector<10240x64xf32>
    %swap3A = arith.constant 0 : index
    %swap3A_30 = arith.constant 0 : index
    %swap3A_31 = vector.load %arg5[%swap3A, %swap3A_30] : memref<10240x64xf32, #tpu.memory_space<vmem>>, vector<10240x64xf32>
    tpu.vector_store %arg5[%swap3A, %swap3A_30], %mul3A_29 {strides = array<i32>} : memref<10240x64xf32, #tpu.memory_space<vmem>>, vector<10240x64xf32>,
    return
  }
}

module attributes {stable_mosaic.version = 14 : i64} {
  func.func @_fin_body(%arg0: memref<2x10240x64xf32, #tpu.memory_space<vmem>>, %arg1: memref<10240x64xf32, #tpu.memory_space<vmem>>, %arg2: memref<10240x1xf32, #tpu.memory_space<vmem>>, %arg3: memref<1x64xf32, #tpu.memory_space<vmem>>, %arg4: memref<1x10240xi32, #tpu.memory_space<vmem>>, %arg5: memref<64x16xf32, #tpu.memory_space<vmem>>, %arg6: memref<1x16xf32, #tpu.memory_space<vmem>>, %arg7: memref<64x16xf32, #tpu.memory_space<vmem>>) attributes {dimension_semantics = [], scalar_prefetch = 0 : i64, scratch_operands = 0 : i64, tpu.core_type = #tpu.core_type<tc>} {
    %get3A = arith.constant 0 : index
    %get3A_0 = arith.constant 0 : index
    %get3A_1 = arith.constant 0 : index
    %get3A_2 = vector.load %arg0[%get3A, %get3A_0, %get3A_1] : memref<2x10240x64xf32, #tpu.memory_space<vmem>>, vector<1x10240x64xf32>
    %get3A_3 = vector.shape_cast %get3A_2 : vector<1x10240x64xf32> to vector<10240x64xf32>
    %get3A_4 = arith.constant 1 : index
    %get3A_5 = arith.constant 0 : index
    %get3A_6 = arith.constant 0 : index
    %get3A_7 = vector.load %arg0[%get3A_4, %get3A_5, %get3A_6] : memref<2x10240x64xf32, #tpu.memory_space<vmem>>, vector<1x10240x64xf32>
    %get3A_8 = vector.shape_cast %get3A_7 : vector<1x10240x64xf32> to vector<10240x64xf32>
    %add3A = arith.addf %get3A_3, %get3A_8 : vector<10240x64xf32>
    %get3A_9 = arith.constant 0 : index
    %get3A_10 = arith.constant 0 : index
    %get3A_11 = vector.load %arg1[%get3A_9, %get3A_10] : memref<10240x64xf32, #tpu.memory_space<vmem>>, vector<10240x64xf32>
    %add3A_12 = arith.addf %add3A, %get3A_11 : vector<10240x64xf32>
    %get3A_13 = arith.constant 0 : index
    %get3A_14 = arith.constant 0 : index
    %get3A_15 = vector.load %arg2[%get3A_13, %get3A_14] : memref<10240x1xf32, #tpu.memory_space<vmem>>, vector<10240x1xf32>
    %mul3A = vector.broadcast %get3A_15 : vector<10240x1xf32> to vector<10240x64xf32>
    %mul3A_16 = arith.mulf %add3A_12, %mul3A : vector<10240x64xf32>
    %get3A_17 = arith.constant 0 : index
    %get3A_18 = arith.constant 0 : index
    %get3A_19 = vector.load %arg3[%get3A_17, %get3A_18] : memref<1x64xf32, #tpu.memory_space<vmem>>, vector<1x64xf32>
    %add3A_20 = vector.broadcast %get3A_19 : vector<1x64xf32> to vector<10240x64xf32>
    %add3A_21 = arith.addf %mul3A_16, %add3A_20 : vector<10240x64xf32>
    %max3A = arith.constant 0.000000e+00 : f32
    %max3A_22 = vector.broadcast %max3A : f32 to vector<10240x64xf32>
    %max3A_23 = arith.maximumf %add3A_21, %max3A_22 : vector<10240x64xf32>
    %iota3A = tpu.iota {dimensions = array<i32: 0>} : vector<64x10240xi32>
    %get3A_24 = arith.constant 0 : index
    %get3A_25 = arith.constant 0 : index
    %get3A_26 = vector.load %arg4[%get3A_24, %get3A_25] : memref<1x10240xi32, #tpu.memory_space<vmem>>, vector<1x10240xi32>
    %eq3A = vector.broadcast %get3A_26 : vector<1x10240xi32> to vector<64x10240xi32>
    %eq3A_27 = arith.cmpi eq, %iota3A, %eq3A : vector<64x10240xi32>
    %jit3A = arith.constant 1.000000e+00 : f32
    %jit3A_28 = arith.constant 0.000000e+00 : f32
    %broadcast_in_dim3A = vector.broadcast %jit3A : f32 to vector<64x10240xf32>
    %broadcast_in_dim3A_29 = vector.broadcast %jit3A_28 : f32 to vector<64x10240xf32>
    %select_n3A = arith.select %eq3A_27, %broadcast_in_dim3A, %broadcast_in_dim3A_29 : vector<64x10240xi1>, vector<64x10240xf32>
    %dot_general3A = arith.constant dense<0.000000e+00> : vector<64x64xf32>
    %dot_general3A_30 = tpu.matmul %select_n3A, %max3A_23, %dot_general3A {dimension_numbers = #tpu.dot_dimension_numbers<[1], [0], [0], [1], [0, 0, 1, 1], [], []>, transpose_lhs_hint = false} : vector<64x10240xf32>, vector<10240x64xf32>, vector<64x64xf32> -> vector<64x64xf32>
    %get3A_31 = arith.constant 0 : index
    %get3A_32 = arith.constant 0 : index
    %get3A_33 = vector.load %arg5[%get3A_31, %get3A_32] : memref<64x16xf32, #tpu.memory_space<vmem>>, vector<64x16xf32>
    %dot_general3A_34 = arith.constant dense<0.000000e+00> : vector<64x16xf32>
    %dot_general3A_35 = tpu.matmul %dot_general3A_30, %get3A_33, %dot_general3A_34 {dimension_numbers = #tpu.dot_dimension_numbers<[1], [0], [0], [1], [0, 0, 1, 1], [], []>, transpose_lhs_hint = false} : vector<64x64xf32>, vector<64x16xf32>, vector<64x16xf32> -> vector<64x16xf32>
    %get3A_36 = arith.constant 0 : index
    %get3A_37 = arith.constant 0 : index
    %get3A_38 = vector.load %arg6[%get3A_36, %get3A_37] : memref<1x16xf32, #tpu.memory_space<vmem>>, vector<1x16xf32>
    %add3A_39 = vector.broadcast %get3A_38 : vector<1x16xf32> to vector<64x16xf32>
    %add3A_40 = arith.addf %dot_general3A_35, %add3A_39 : vector<64x16xf32>
    %reduce_max3A = arith.constant dense<0xFF800000> : vector<64xf32>
    %reduce_max3A_41 = vector.multi_reduction <maximumf>, %add3A_40, %reduce_max3A [1] : vector<64x16xf32> to vector<64xf32>
    %broadcast_in_dim3A_42 = vector.shape_cast %reduce_max3A_41 : vector<64xf32> to vector<64x1xf32>
    %sub3A = vector.broadcast %broadcast_in_dim3A_42 : vector<64x1xf32> to vector<64x16xf32>
    %sub3A_43 = arith.subf %add3A_40, %sub3A : vector<64x16xf32>
    %exp3A = math.exp %sub3A_43 : vector<64x16xf32>
    %reduce_sum3A = arith.constant dense<0.000000e+00> : vector<64xf32>
    %reduce_sum3A_44 = vector.multi_reduction <add>, %exp3A, %reduce_sum3A [1] : vector<64x16xf32> to vector<64xf32>
    %broadcast_in_dim3A_45 = vector.shape_cast %reduce_sum3A_44 : vector<64xf32> to vector<64x1xf32>
    %log3A = math.log %broadcast_in_dim3A_45 : vector<64x1xf32>
    %sub3A_46 = vector.broadcast %log3A : vector<64x1xf32> to vector<64x16xf32>
    %sub3A_47 = arith.subf %sub3A_43, %sub3A_46 : vector<64x16xf32>
    %swap3A = arith.constant 0 : index
    %swap3A_48 = arith.constant 0 : index
    %swap3A_49 = vector.load %arg7[%swap3A, %swap3A_48] : memref<64x16xf32, #tpu.memory_space<vmem>>, vector<64x16xf32>
    tpu.vector_store %arg7[%swap3A, %swap3A_48], %sub3A_47 {strides = array<i32>} : memref<64x16xf32, #tpu.memory_space<vmem>>, vector<64x16xf32>,
    return
  }
}

</mosaic_0001>

<sc_bundles>
// kernel: kernel.11.cloned.1.call-start
scs
__scs_entry_jumppad:
0x0: {  	(pc) =	sbr.rel $0x88, $3  }
0x1: {  	(tag) =	ssettag $0x0;
	lr =	simm.s32 $0x1  }
0x2: {  	[smem:$0x3F98] =	sst lr;
	_ =	strace $0xD0000000  }
0x3: {  	_ = 	snop  }
0x4: {  	_ = 	snop  }
0x5: {  	_ = 	snop  }
0x6: {  	_ = 	snop  }
0x7: {  	_ = 	snop  }
__scs_overlays_trampoline_lowered:
0x8: {  	[smem:$0x3FA7] =	sst s0  }
0x9: {  	[smem:$0x3FA8] =	sst s1  }
0xa: {  	[smem:$0x3FA9] =	sst s2  }
0xb: {  	[smem:$0x3FAA] =	sst s3  }
0xc: {  	[smem:$0x3FAB] =	sst s4  }
0xd: {  	[smem:$0x3FAC] =	sst s5  }
0xe: {  	[smem:$0x3FAD] =	sst s6  }
0xf: {  	[smem:$0x3FAE] =	sst s7  }
0x10: {  	[smem:$0x3FAF] =	sst s8  }
0x11: {  	[smem:$0x3FB0] =	sst s9;
	s0 =	simm.s32 @!p0 $0x0  }
0x12: {  	s1 =	sld [smem:$0x3F96];
	s0 =	simm.s32 @p0 $0x1  }
0x13: {  	[smem:$0x3FB1] =	sst s0;
	s0 =	simm.s32 @!p1 $0x0  }
0x14: {  	s2 =	sld [smem:$0x3F95];
	s0 =	simm.s32 @p1 $0x1  }
0x15: {  	[smem:$0x3FB2] =	sst s0;
	s0 =	simm.s32 @!p2 $0x0  }
0x16: {  	s3 =	sld [smem:$0x3FDB];
	s0 =	simm.s32 @p2 $0x1  }
0x17: {  	s4 =	simm.s32 $0x1BF5;
	[smem:$0x3FB4] =	sst s0  }
0x18: {  	s0 =	sld [smem:$0x3F97];
	_ =	swait.ge [sflag:s4], $0x0  }
0x19: {  	s7 =	sld [smem:$0x3F98]  }
0x1a: {  	s8 =	sadd.s32 $0xFFFFE003, lr  }
0x1b: {  	s9 =	sadd.s32 $0xFFFFFEF7, lr;
	s5 =	simm.s32 $0xFFFFFFFF;
	p2 =	slt.u32 s8, $0xFFFFF086  }
0x1c: {  	p1 =	slt.u32 s9, $0xF7A;
	s5 =	simm.s32 @!p2 $0x0  }
0x1d: {  	s5 =	simm.s32 @p1 $0x1;
	p0 =	seq.s32 s7, s2  }
0x1e: {  	s7 =	smul.u32 @!p0 $0xF7A, s2;
	p2 =	seq.s32 @!p0 s5, $0x0  }
0x1f: {  	s9 =	smul.u32 $0xF7A, s1;
	s8 =	simm.s32 @!p0 $0x1BF5;
	p2 =	por !p2, p0  }
0x20: {  	[sflag:s8] =	ssyncset.s32 @!p0 $0xFFFFF086;
	s6 =	sadd.s32 @!p0 s3, s7;
	s7 =	simm.s32 @!p0 $0x108  }
0x21: {  	s3 =	sadd.s32 s3, s9;
	s6 =	sadd.s32 @!p0 $0x88, s6;
	s7 =	simm.s32 @p2 $0x1082  }
0x22: {  	[simem:s7], [sflag:s8] =	dma.local @!p0 [hbm:s6], $0xF7A  }
0x23: {  	s9 =	sor.u32 $0xD0000000, s2;
	s6 =	simm.s32 $0x108;
	_ =	swait.ge @!p0 [sflag:s8], $0x0  }
0x24: {  	s3 =	sadd.s32 $0x88, s3;
	s6 =	simm.s32 @!p1 $0x1082;
	[sflag:s4] =	ssyncset.s32 $0xFFFFF086  }
0x25: {  	[simem:s6], [sflag:s4] =	dma.local [hbm:s3], $0xF7A  }
0x26: {  	[smem:$0x3F98] =	sst s1;
	(tag) =	ssettag s2;
	_ =	strace s9  }
0x27: {  	s1 =	sld [smem:$0x3FA8]  }
0x28: {  	s2 =	sld [smem:$0x3FA9]  }
0x29: {  	s4 =	sld [smem:$0x3FAB]  }
0x2a: {  	p0 =	seq.s32 s5, $0x0;
	s5 =	sld [smem:$0x3FAC]  }
0x2b: {  	s6 =	sld [smem:$0x3FAD]  }
0x2c: {  	s7 =	sld [smem:$0x3FAE]  }
0x2d: {  	s3 =	simm.s32 $0x108;
	s8 =	sld [smem:$0x3FAF]  }
0x2e: {  	s3 =	simm.s32 @!p0 $0x1082;
	s9 =	sld [smem:$0x3FB0]  }
0x2f: {  	lr =	sadd.s32 s0, s3;
	s0 =	sld [smem:$0x3FA7]  }
0x30: {  	s3 =	sld [smem:$0x3FAA]  }
0x31: {  	[smem:$0x3FB3] =	sst s10  }
0x32: {  	s10 =	sld [smem:$0x3FB1];
	_ =	sdelay $0x3  }
0x33: {  	p0 =	seq.s32 s10, $0x1;
	s10 =	sld [smem:$0x3FB3];
	_ =	sdelay $0x3  }
0x34: {  	[smem:$0x3FB3] =	sst s10  }
0x35: {  	s10 =	sld [smem:$0x3FB2];
	_ =	sdelay $0x3  }
0x36: {  	p1 =	seq.s32 s10, $0x1;
	s10 =	sld [smem:$0x3FB3];
	_ =	sdelay $0x3  }
0x37: {  	[smem:$0x3FB3] =	sst s10  }
0x38: {  	s10 =	sld [smem:$0x3FB4]  }
0x39: {  	_ = 	snop;
	(pc) =	sbr.ind lr, $3  }
0x3a: {  	_ = 	snop  }
0x3b: {  	_ = 	snop  }
0x3c: {  	p2 =	seq.s32 s10, $0x1;
	s10 =	sld [smem:$0x3FB3]  }
0x3d: {  	_ =	shalt  }
0x3e: {  	_ =	shalt  }
0x3f: {  	_ =	shalt  }
0x40: {  	_ =	shalt  }
0x41: {  	_ =	shalt  }
0x42: {  	_ =	shalt  }
0x43: {  	_ =	shalt  }
0x44: {  	_ =	shalt  }
0x45: {  	_ =	shalt  }
0x46: {  	_ =	shalt  }
0x47: {  	_ =	shalt  }
0x48: {  	_ =	shalt  }
0x49: {  	_ =	shalt  }
0x4a: {  	_ =	shalt  }
0x4b: {  	_ =	shalt  }
0x4c: {  	_ =	shalt  }
0x4d: {  	_ =	shalt  }
0x4e: {  	_ =	shalt  }
0x4f: {  	_ =	shalt  }
0x50: {  	_ =	shalt  }
0x51: {  	_ =	shalt  }
0x52: {  	_ =	shalt  }
0x53: {  	_ =	shalt  }
0x54: {  	_ =	shalt  }
0x55: {  	_ =	shalt  }
0x56: {  	_ =	shalt  }
0x57: {  	_ =	shalt  }
0x58: {  	_ =	shalt  }
0x59: {  	_ =	shalt  }
0x5a: {  	_ =	shalt  }
0x5b: {  	_ =	shalt  }
0x5c: {  	_ =	shalt  }
0x5d: {  	_ =	shalt  }
0x5e: {  	_ =	shalt  }
0x5f: {  	_ =	shalt  }
0x60: {  	_ =	shalt  }
0x61: {  	_ =	shalt  }
0x62: {  	_ =	shalt  }
0x63: {  	_ =	shalt  }
0x64: {  	_ =	shalt  }
0x65: {  	_ =	shalt  }
0x66: {  	_ =	shalt  }
0x67: {  	_ =	shalt  }
0x68: {  	_ =	shalt  }
0x69: {  	_ =	shalt  }
0x6a: {  	_ =	shalt  }
0x6b: {  	_ =	shalt  }
0x6c: {  	_ =	shalt  }
0x6d: {  	_ =	shalt  }
0x6e: {  	_ =	shalt  }
0x6f: {  	_ =	shalt  }
0x70: {  	_ =	shalt  }
0x71: {  	_ =	shalt  }
0x72: {  	_ =	shalt  }
0x73: {  	_ =	shalt  }
0x74: {  	_ =	shalt  }
0x75: {  	_ =	shalt  }
0x76: {  	_ =	shalt  }
0x77: {  	_ =	shalt  }
0x78: {  	_ =	shalt  }
0x79: {  	_ =	shalt  }
0x7a: {  	_ =	shalt  }
0x7b: {  	_ =	shalt  }
0x7c: {  	_ =	shalt  }
0x7d: {  	_ =	shalt  }
0x7e: {  	_ =	shalt  }
0x7f: {  	_ =	shalt  }
0x80: {  	_ =	shalt  }
0x81: {  	_ =	shalt  }
0x82: {  	_ =	shalt  }
0x83: {  	_ =	shalt  }
0x84: {  	_ =	shalt  }
0x85: {  	_ =	shalt  }
0x86: {  	_ =	shalt  }
0x87: {  	_ =	shalt  }
.Lfunc_end0:
.L_simem_size_0:
called_computation.1_lowered:
.L_overlay_start_0:
0x88: {  	s2 =	sld [smem:$0x3FD9]  }
0x89: {  	s3 =	sld [smem:$0x3FFE];
	_ =	sdelay $0x1  }
0x8a: {  	s1 =	srdreg.scid  }
0x8b: {  	s0 =	sand.u32 $0x1, s1  }
0x8c: {  	s16 =	sshll.u32 s0, $0xA;
	s2 =	sadd.s32 s3, s2  }
0x8d: {  	s2 =	sadd.s32 s2, s16  }
0x8e: {  	[smem:$0x3FBF] =	sst s2  }
0x8f: {  	_ = 	snop  }
0x90: {  	(tm) =	ssettm $0x1  }
0x91: {  	s17 =	sld [smem:$0x3FFB];
	_ =	sdelay $0x3  }
0x92: {  	_ =	strace s17  }
0x93: {  	s2 =	sld [smem:$0x3FFC];
	_ =	sdelay $0x3  }
0x94: {  	_ =	strace s2  }
0x95: {  	s2 =	sld [smem:$0x3FFD];
	_ =	sdelay $0x3  }
0x96: {  	_ =	strace s2  }
0x97: {  	_ =	strace $0x8FFFFFFF  }
0x98: {  	s18 =	sld [smem:$0x3FDB];
	_ =	sdelay $0x1  }
0x99: {  	s19 =	simm.s32 $_scs_section_size  }
0x9a: {  	s4 =	simm.s32 $_size__tile_overlayer_lowered;
	s5 =	simm.s32 $_tile_overlayer_lowered  }
0x9b: {  	s22 =	simm.s32 $0x1BFF;
	s21 =	sshll.u32 s5, $0x1;
	s2 =	sadd.s32 s19, s18  }
0x9c: {  	s6 =	simm.s32 $0x0;
	s20 =	sshll.u32 s4, $0x1;
	s4 =	sadd.s32 s21, s2  }
0x9d: {  	[timem:s6], [sflag:s22] =	dma.local [hbm:s4], s20  }
0x9e: {  	_ =	swait.ge [sflag:s22], s20  }
0x9f: {  	s3 =	ssub.s32 $0x0, s20;
	[sflag:s22] =	ssyncset.done $0x0  }
0xa0: {  	[sflag:s22] =	ssyncadd.s32 s3;
	_ =	sdelay $0x1  }
0xa1: {  	s23 =	simm.s32 $0x1B8B  }
0xa2: {  	_ =	swait.ge [sflag:s23], $0x1  }
0xa3: {  	[sflag:s23] =	ssyncset.done $0x0  }
0xa4: {  	s25 =	simm.s32 $0x1B8E;
	s24 =	sld [smem:$0x3FFE];
	[sflag:s23] =	ssyncadd.s32 $0xFFFFFFFF  }
0xa5: {  	s26 =	simm.s32 $execute0_lowered;
	[smem:$0x3FD2] =	sst s25  }
0xa6: {  	s4 =	sshll.u32 s26, $0x1;
	_ =	strace $0x80000049;
	[dreg:$0x1] =	wrdreg $0xFFFFFFFF  }
0xa7: {  	s28 =	simm.s32 $_size_execute0_lowered;
	s2 =	sadd.s32 s2, s4;
	[dreg:$0x0] =	wrdreg $0x0  }
0xa8: {  	s4 =	sshll.u32 s28, $0x1;
	[dreg:$0x2] =	wrdreg s2  }
0xa9: {  	[dreg:$0x3] =	wrdreg s4  }
0xaa: {  	[dreg:$0x4] =	wrdreg $0xC0  }
0xab: {  	_ =	task [dreg:s6], $0x5FFFF  }
0xac: {  	[dreg:$0x1] =	wrdreg $0xFFFFFFFF  }
0xad: {  	[dreg:$0x0] =	wrdreg $0x60  }
0xae: {  	[dreg:$0x2] =	wrdreg s24  }
0xaf: {  	[dreg:$0x3] =	wrdreg $0x10F000  }
0xb0: {  	[dreg:$0x4] =	wrdreg $0x9  }
0xb1: {  	_ =	task.clear_ibuf [dreg:s6], $0x5FFFF;
	_ =	strace $0x90000049  }
0xb2: {  	s29 =	simm.s32 $0x9;
	_ =	strace $0x8000004B  }
0xb3: {  	_ =	swait.ge [sflag:s29], $0x1  }
0xb4: {  	[sflag:s29] =	ssyncadd.s32 $0xFFFFFFFF  }
0xb5: {  	_ =	strace $0x9000004B  }
0xb6: {  	_ =	sfence  }
0xb7: {  	s30 =	sld [smem:$0x0];
	_ =	sdelay $0x2  }
0xb8: {  	s31 =	sshll.u32 s1, $0xD;
	s1 =	sshrl.u32 s1, $0x2  }
0xb9: {  	s3 =	sand.u32 $0x4000, s31;
	s1 =	sadd.s32 s1, s30  }
0xba: {  	s0 =	sor.u32 s3, s0;
	s1 =	sshll.u32 s1, $0x11  }
0xbb: {  	s0 =	sor.u32 s1, s0  }
0xbc: {  	s0 =	sadd.s32 $0x8F2B, s0  }
0xbd: {  	[sflag:s0] =	ssyncadd.remote.s32 $0x1  }
0xbe: {  	_ =	sfence.sel $0xFFFF  }
0xbf: {  	[dreg:$0x0] =	wrdreg $0xFFFFFFFF;
	(pc) =	sbr.abs _section_cstart, $3  }
0xc0: {  	[dreg:$0x1] =	wrdreg $0xFFFFFFFF  }
0xc1: {  	_ =	task.clear_ibuf [dreg:s6], $0x2FFFF;
	_ =	strace $0x9FFFFFFF  }
0xc2: {  	(tm) =	ssettm $0x7FFFFFFF  }
0xc3: {  	_ =	shalt  }
tec
execute0_lowered:
.L_overlay_start_1:
0x0: {  	(tag) =	ssettag $0x1  }
0x1: {  	s5 =	rddreg [dreg:$0x0]  }
0x2: {  	s2 =	rddreg [dreg:$0x1]  }
0x3: {  	s0 =	rddreg [dreg:$0x2];
	s4 =	srdreg.scid  }
0x4: {  	s1 =	stileid.u32;
	s3 =	simm.s32 $0x0;
	s11 =	simm.s32 $0x2  }
0x5: {  	s12 =	simm.s32 $0x2780;
	s13 =	simm.s32 $0x80;
	s14 =	simm.s32 $0x4F00  }
0x6: {  	s15 =	simm.s32 $0x1;
	s16 =	simm.s32 $0x0;
	s4 =	sand.u32 $0x1, s4  }
0x7: {  	s6 =	smul.u32 $0xA000, s1;
	[smem:$0x7FF] =	sst s3;
	s7 =	sshll.u32 s4, $0x4  }
0x8: {  	s8 =	smul.u32 $0xA0000, s4;
	_ =	strace $0x8000004A;
	s9 =	ssub.s32 $0x2, s4  }
0x9: {  	s4 =	sadd.s32 $0x20400, s5;
	s7 =	sor.u32 s1, s7;
	s10 =	sshrl.u32 s9, $0x1  }
0xa: {  	s7 =	smul.u32 $0x4F0, s7;
	s8 =	sadd.s32 s6, s8;
	s9 =	ssub.s32 s9, s10  }
0xb: {  	s10 =	simm.s32 $0x6F00;
	s8 =	sshrl.u32 s8, $0x3;
	s9 =	smax.u32 s9, $0x1  }
0xc: {  	s7 =	sadd.s32 s7, s5;
	s8 =	sadd.s32 s8, s5;
	s5 =	sadd.s32 s6, s2  }
0xd: {  	v0 =	vimm.f32 $0.0e+00;
	s6 =	sadd.s32 $0x16600, s7;
	s7 =	sadd.s32 $0x1E00, s7;
	s8 =	sadd.s32 $0x34400, s8  }
.LBB2_1:
0xe: {  	s18 =	simm.s32 $0x100;
	s17 =	simm.s32 $0x0  }
.LBB2_2:
0xf: {  	p0 =	sne.s32 s18, $0x27F00;
	[tilespmem:s17+$0x6F30] =	vst v0;
	s19 =	smov.u32 s18;
	s18 =	sadd.s32 $0x100, s18  }
.Ltmp0:
0x10: {  	[tilespmem:s17+$0x6F20] =	vst v0;
	(pc) =	sbr.rel @p0 .LBB2_2-.Ltmp0, $3  }
0x11: {  	[tilespmem:s17+$0x6F00] =	vst v0  }
0x12: {  	[tilespmem:s17+$0x6F10] =	vst v0;
	_ =	sdelay $0x1  }
0x13: {  	s17 =	sshra.s32 s19, $0x2  }
0x14: {  	[tilespmem:s17+$0x6F30] =	vst v0  }
0x15: {  	[tilespmem:s17+$0x6F20] =	vst v0  }
0x16: {  	[tilespmem:s17+$0x6F00] =	vst v0  }
0x17: {  	[tilespmem:s17+$0x6F10] =	vst v0  }
0x18: {  	[spmem:s5] =	stream.linear.scatter [tilespmem:s10], [sflag:$0x2], $0xA000, $0x38;
	[tilespmem:$0x1AF00] =	vst v63  }
0x19: {  	_ =	swait.ge [sflag:s11], $0xA000  }
0x1a: {  	[sflag:s11] =	ssyncset.done $0x0  }
0x1b: {  	[sflag:s11] =	ssyncadd.s32 $0xFFFF6000  }
0x1c: {  	s29 =	simm.s32 $0x0;
	[bflag:$0x0] =	sbarrier.arrive $0xFFFF  }
0x1d: {  	[tilespmem:s29], [sflag:$0x2] =	stream.linear.gather [hbm4b:s6+s29], $0x2780, $0x38;
	[tilespmem:$0x1AF00] =	vst v63  }
0x1e: {  	_ =	swait.ge [sflag:s11], $0x2780  }
0x1f: {  	[sflag:s11] =	ssyncset.done $0x0  }
0x20: {  	[sflag:s11] =	ssyncadd.s32 $0xFFFFD880  }
0x21: {  	[tilespmem:s12], [sflag:$0x2] =	stream.linear.gather [hbm4b:s7+s29], $0x2780, $0x38;
	[tilespmem:$0x1AF00] =	vst v63  }
0x22: {  	_ =	swait.ge [sflag:s11], $0x2780  }
0x23: {  	[sflag:s11] =	ssyncset.done $0x0  }
0x24: {  	s30 =	simm.s32 $0x0;
	[sflag:s11] =	ssyncadd.s32 $0xFFFFD880  }
0x25: {  	[tilespmem:s14], [sflag:$0x1] =	stream.indirect.gather [hbm4b:s4+s13], $0x40, s30, s13, $0xb8;
	[tilespmem:$0x1AF00] =	vst v63  }
0x26: {  	_ =	swait.ge [sflag:s15], $0x2000  }
0x27: {  	[sflag:s15] =	ssyncset.done $0x0  }
0x28: {  	s31 =	simm.s32 $0x2780;
	[sflag:s15] =	ssyncadd.s32 $0xFFFFE000  }
0x29: {  	[spmem:s2] =	stream.indirect.scatter.add.f32 [tilespmem:s14], [sflag:$0x2], $0x40, s31, s13, $0xb8;
	[tilespmem:$0x1AF00] =	vst v63  }
0x2a: {  	_ =	swait.ge [sflag:s11], $0x2000  }
0x2b: {  	s17 =	simm.s32 $0x200;
	s18 =	simm.s32 $0x400;
	[sflag:s11] =	ssyncset.done $0x0  }
.LBB2_4:
0x2c: {  	s19 =	sshra.s32 s17, $0x2  }
0x2d: {  	[sflag:s11] =	ssyncadd.s32 $0xFFFFE000;
	s17 =	smov.u32 s18;
	s20 =	sadd.s32 $0x200, s18  }
0x2e: {  	[tilespmem:s14], [sflag:$0x1] =	stream.indirect.gather [hbm4b:s4+s13], $0x40, s19, s13, $0xb8;
	[tilespmem:$0x1AF00] =	vst v63  }
0x2f: {  	p0 =	sne.s32 s18, $0x9C00;
	_ =	swait.ge [sflag:s15], $0x2000  }
.Ltmp1:
0x30: {  	[sflag:s15] =	ssyncset.done $0x0;
	(pc) =	sbr.rel @p0 .LBB2_4-.Ltmp1, $4  }
0x31: {  	s18 =	sadd.s32 $0x2780, s19;
	[sflag:s15] =	ssyncadd.s32 $0xFFFFE000  }
0x32: {  	[spmem:s2] =	stream.indirect.scatter.add.f32 [tilespmem:s14], [sflag:$0x2], $0x40, s18, s13, $0xb8;
	[tilespmem:$0x1AF00] =	vst v63  }
0x33: {  	_ =	swait.ge [sflag:s11], $0x2000  }
0x34: {  	s18 =	smov.u32 s20;
	[sflag:s11] =	ssyncset.done $0x0  }
0x35: {  	s17 =	sshra.s32 s17, $0x2;
	[sflag:s11] =	ssyncadd.s32 $0xFFFFE000  }
0x36: {  	[tilespmem:s14], [sflag:$0x1] =	stream.indirect.gather [hbm4b:s4+s13], $0x40, s17, s13, $0xb8;
	[tilespmem:$0x1AF00] =	vst v63  }
0x37: {  	_ =	swait.ge [sflag:s15], $0x2000  }
0x38: {  	[sflag:s15] =	ssyncset.done $0x0  }
0x39: {  	s17 =	sadd.s32 $0x2780, s17;
	[sflag:s15] =	ssyncadd.s32 $0xFFFFE000  }
0x3a: {  	[spmem:s2] =	stream.indirect.scatter.add.f32 [tilespmem:s14], [sflag:$0x2], $0x40, s17, s13, $0xb8;
	[tilespmem:$0x1AF00] =	vst v63  }
0x3b: {  	_ =	swait.ge [sflag:s11], $0x2000  }
0x3c: {  	[sflag:s11] =	ssyncset.done $0x0  }
0x3d: {  	[sflag:s11] =	ssyncadd.s32 $0xFFFFE000  }
0x3e: {  	[bflag:$0x0] =	sbarrier.arrive $0xFFFF  }
0x3f: {  	[tilespmem:s10], [sflag:$0x2] =	stream.linear.gather [spmem:s5], $0xA000, $0x38;
	[tilespmem:$0x1AF00] =	vst v63  }
0x40: {  	s16 =	sadd.s32 $0x1, s16;
	_ =	swait.ge [sflag:s11], $0xA000  }
0x41: {  	p0 =	sne.s32 s16, s9;
	[sflag:s11] =	ssyncset.done $0x0  }
.Ltmp2:
0x42: {  	[sflag:s11] =	ssyncadd.s32 $0xFFFF6000;
	(pc) =	sbr.rel @p0 .LBB2_1-.Ltmp2, $4  }
0x43: {  	[hbm4b:s8+s3] =	stream.linear.scatter [tilespmem:s10], [sflag:$0x2], $0xA000, $0x38;
	[tilespmem:$0x1AF00] =	vst v63  }
0x44: {  	_ =	swait.ge [sflag:s11], $0xA000  }
0x45: {  	[sflag:s11] =	ssyncset.done $0x0  }
0x46: {  	[sflag:s11] =	ssyncadd.s32 $0xFFFF6000  }
0x47: {  	_ =	sfence.sel $0x180000  }
0x48: {  	[bflag:$0x0] =	sbarrier.arrive $0xFFFF  }
0x49: {  	p0 =	sne.s32 s1, $0x0;
	_ =	strace $0x9000004A  }
0x4a: {  	s0 =	sadd.s32 @!p0 $0x100000, s0;
	[bflag:$0x2] =	sbarrier.arrive $0xFFFF  }
0x4b: {  	[sflag:s0] =	ssyncadd.tile.s32 @!p0 $0x1;
	_ =	shalt  }
.Lfunc_end2:
_tile_overlayer_lowered:
.L_overlay_start_2:
0x4c: {  	(tag) =	ssettag $0x2  }
0x4d: {  	s0 =	rddreg [dreg:$0x0];
	s2 =	stileid.u32  }
0x4e: {  	s1 =	rddreg [dreg:$0x1];
	p0 =	sne.s32 s2, $0x0  }
0x4f: {  	s3 =	rddreg [dreg:$0x2];
	[bflag:$0x3] =	sbarrier.arrive $0xFFFF;
	s2 =	simm.s32 @!p0 $0x1C02  }
0x50: {  	[timem:s3], [sflag:s2] =	dma.local @!p0 [hbm:s0], s1  }
0x51: {  	s0 =	simm.s32 @!p0 $0x2  }
0x52: {  	_ =	swait.ge @!p0 [sflag:s0], s1  }
0x53: {  	s1 =	ssub.s32 @!p0 $0x0, s1;
	[sflag:s0] =	ssyncset.done @!p0 $0x0  }
0x54: {  	[sflag:s0] =	ssyncadd.s32 @!p0 s1  }
0x55: {  	[bflag:$0x3] =	sbarrier.arrive $0xFFFF  }
0x56: {  	_ =	shalt  }

// kernel: kernel.14.cloned.1.call-start
scs
__scs_entry_jumppad:
0x0: {  	(pc) =	sbr.rel $0x88, $3  }
0x1: {  	(tag) =	ssettag $0x0;
	lr =	simm.s32 $0x1  }
0x2: {  	[smem:$0x3F98] =	sst lr;
	_ =	strace $0xD0000000  }
0x3: {  	_ = 	snop  }
0x4: {  	_ = 	snop  }
0x5: {  	_ = 	snop  }
0x6: {  	_ = 	snop  }
0x7: {  	_ = 	snop  }
__scs_overlays_trampoline_lowered:
0x8: {  	[smem:$0x3FA7] =	sst s0  }
0x9: {  	[smem:$0x3FA8] =	sst s1  }
0xa: {  	[smem:$0x3FA9] =	sst s2  }
0xb: {  	[smem:$0x3FAA] =	sst s3  }
0xc: {  	[smem:$0x3FAB] =	sst s4  }
0xd: {  	[smem:$0x3FAC] =	sst s5  }
0xe: {  	[smem:$0x3FAD] =	sst s6  }
0xf: {  	[smem:$0x3FAE] =	sst s7  }
0x10: {  	[smem:$0x3FAF] =	sst s8  }
0x11: {  	[smem:$0x3FB0] =	sst s9;
	s0 =	simm.s32 @!p0 $0x0  }
0x12: {  	s1 =	sld [smem:$0x3F96];
	s0 =	simm.s32 @p0 $0x1  }
0x13: {  	[smem:$0x3FB1] =	sst s0;
	s0 =	simm.s32 @!p1 $0x0  }
0x14: {  	s2 =	sld [smem:$0x3F95];
	s0 =	simm.s32 @p1 $0x1  }
0x15: {  	[smem:$0x3FB2] =	sst s0;
	s0 =	simm.s32 @!p2 $0x0  }
0x16: {  	s3 =	sld [smem:$0x3FDB];
	s0 =	simm.s32 @p2 $0x1  }
0x17: {  	s4 =	simm.s32 $0x1BF5;
	[smem:$0x3FB4] =	sst s0  }
0x18: {  	s0 =	sld [smem:$0x3F97];
	_ =	swait.ge [sflag:s4], $0x0  }
0x19: {  	s7 =	sld [smem:$0x3F98]  }
0x1a: {  	s8 =	sadd.s32 $0xFFFFE003, lr  }
0x1b: {  	s9 =	sadd.s32 $0xFFFFFEF7, lr;
	s5 =	simm.s32 $0xFFFFFFFF;
	p2 =	slt.u32 s8, $0xFFFFF086  }
0x1c: {  	p1 =	slt.u32 s9, $0xF7A;
	s5 =	simm.s32 @!p2 $0x0  }
0x1d: {  	s5 =	simm.s32 @p1 $0x1;
	p0 =	seq.s32 s7, s2  }
0x1e: {  	s7 =	smul.u32 @!p0 $0xF7A, s2;
	p2 =	seq.s32 @!p0 s5, $0x0  }
0x1f: {  	s9 =	smul.u32 $0xF7A, s1;
	s8 =	simm.s32 @!p0 $0x1BF5;
	p2 =	por !p2, p0  }
0x20: {  	[sflag:s8] =	ssyncset.s32 @!p0 $0xFFFFF086;
	s6 =	sadd.s32 @!p0 s3, s7;
	s7 =	simm.s32 @!p0 $0x108  }
0x21: {  	s3 =	sadd.s32 s3, s9;
	s6 =	sadd.s32 @!p0 $0x88, s6;
	s7 =	simm.s32 @p2 $0x1082  }
0x22: {  	[simem:s7], [sflag:s8] =	dma.local @!p0 [hbm:s6], $0xF7A  }
0x23: {  	s9 =	sor.u32 $0xD0000000, s2;
	s6 =	simm.s32 $0x108;
	_ =	swait.ge @!p0 [sflag:s8], $0x0  }
0x24: {  	s3 =	sadd.s32 $0x88, s3;
	s6 =	simm.s32 @!p1 $0x1082;
	[sflag:s4] =	ssyncset.s32 $0xFFFFF086  }
0x25: {  	[simem:s6], [sflag:s4] =	dma.local [hbm:s3], $0xF7A  }
0x26: {  	[smem:$0x3F98] =	sst s1;
	(tag) =	ssettag s2;
	_ =	strace s9  }
0x27: {  	s1 =	sld [smem:$0x3FA8]  }
0x28: {  	s2 =	sld [smem:$0x3FA9]  }
0x29: {  	s4 =	sld [smem:$0x3FAB]  }
0x2a: {  	p0 =	seq.s32 s5, $0x0;
	s5 =	sld [smem:$0x3FAC]  }
0x2b: {  	s6 =	sld [smem:$0x3FAD]  }
0x2c: {  	s7 =	sld [smem:$0x3FAE]  }
0x2d: {  	s3 =	simm.s32 $0x108;
	s8 =	sld [smem:$0x3FAF]  }
0x2e: {  	s3 =	simm.s32 @!p0 $0x1082;
	s9 =	sld [smem:$0x3FB0]  }
0x2f: {  	lr =	sadd.s32 s0, s3;
	s0 =	sld [smem:$0x3FA7]  }
0x30: {  	s3 =	sld [smem:$0x3FAA]  }
0x31: {  	[smem:$0x3FB3] =	sst s10  }
0x32: {  	s10 =	sld [smem:$0x3FB1];
	_ =	sdelay $0x3  }
0x33: {  	p0 =	seq.s32 s10, $0x1;
	s10 =	sld [smem:$0x3FB3];
	_ =	sdelay $0x3  }
0x34: {  	[smem:$0x3FB3] =	sst s10  }
0x35: {  	s10 =	sld [smem:$0x3FB2];
	_ =	sdelay $0x3  }
0x36: {  	p1 =	seq.s32 s10, $0x1;
	s10 =	sld [smem:$0x3FB3];
	_ =	sdelay $0x3  }
0x37: {  	[smem:$0x3FB3] =	sst s10  }
0x38: {  	s10 =	sld [smem:$0x3FB4]  }
0x39: {  	_ = 	snop;
	(pc) =	sbr.ind lr, $3  }
0x3a: {  	_ = 	snop  }
0x3b: {  	_ = 	snop  }
0x3c: {  	p2 =	seq.s32 s10, $0x1;
	s10 =	sld [smem:$0x3FB3]  }
0x3d: {  	_ =	shalt  }
0x3e: {  	_ =	shalt  }
0x3f: {  	_ =	shalt  }
0x40: {  	_ =	shalt  }
0x41: {  	_ =	shalt  }
0x42: {  	_ =	shalt  }
0x43: {  	_ =	shalt  }
0x44: {  	_ =	shalt  }
0x45: {  	_ =	shalt  }
0x46: {  	_ =	shalt  }
0x47: {  	_ =	shalt  }
0x48: {  	_ =	shalt  }
0x49: {  	_ =	shalt  }
0x4a: {  	_ =	shalt  }
0x4b: {  	_ =	shalt  }
0x4c: {  	_ =	shalt  }
0x4d: {  	_ =	shalt  }
0x4e: {  	_ =	shalt  }
0x4f: {  	_ =	shalt  }
0x50: {  	_ =	shalt  }
0x51: {  	_ =	shalt  }
0x52: {  	_ =	shalt  }
0x53: {  	_ =	shalt  }
0x54: {  	_ =	shalt  }
0x55: {  	_ =	shalt  }
0x56: {  	_ =	shalt  }
0x57: {  	_ =	shalt  }
0x58: {  	_ =	shalt  }
0x59: {  	_ =	shalt  }
0x5a: {  	_ =	shalt  }
0x5b: {  	_ =	shalt  }
0x5c: {  	_ =	shalt  }
0x5d: {  	_ =	shalt  }
0x5e: {  	_ =	shalt  }
0x5f: {  	_ =	shalt  }
0x60: {  	_ =	shalt  }
0x61: {  	_ =	shalt  }
0x62: {  	_ =	shalt  }
0x63: {  	_ =	shalt  }
0x64: {  	_ =	shalt  }
0x65: {  	_ =	shalt  }
0x66: {  	_ =	shalt  }
0x67: {  	_ =	shalt  }
0x68: {  	_ =	shalt  }
0x69: {  	_ =	shalt  }
0x6a: {  	_ =	shalt  }
0x6b: {  	_ =	shalt  }
0x6c: {  	_ =	shalt  }
0x6d: {  	_ =	shalt  }
0x6e: {  	_ =	shalt  }
0x6f: {  	_ =	shalt  }
0x70: {  	_ =	shalt  }
0x71: {  	_ =	shalt  }
0x72: {  	_ =	shalt  }
0x73: {  	_ =	shalt  }
0x74: {  	_ =	shalt  }
0x75: {  	_ =	shalt  }
0x76: {  	_ =	shalt  }
0x77: {  	_ =	shalt  }
0x78: {  	_ =	shalt  }
0x79: {  	_ =	shalt  }
0x7a: {  	_ =	shalt  }
0x7b: {  	_ =	shalt  }
0x7c: {  	_ =	shalt  }
0x7d: {  	_ =	shalt  }
0x7e: {  	_ =	shalt  }
0x7f: {  	_ =	shalt  }
0x80: {  	_ =	shalt  }
0x81: {  	_ =	shalt  }
0x82: {  	_ =	shalt  }
0x83: {  	_ =	shalt  }
0x84: {  	_ =	shalt  }
0x85: {  	_ =	shalt  }
0x86: {  	_ =	shalt  }
0x87: {  	_ =	shalt  }
.Lfunc_end0:
.L_simem_size_0:
called_computation.2_lowered:
.L_overlay_start_0:
0x88: {  	s2 =	sld [smem:$0x3FD9]  }
0x89: {  	s3 =	sld [smem:$0x3FFE];
	_ =	sdelay $0x1  }
0x8a: {  	s1 =	srdreg.scid  }
0x8b: {  	s0 =	sand.u32 $0x1, s1  }
0x8c: {  	s16 =	sshll.u32 s0, $0xA;
	s2 =	sadd.s32 s3, s2  }
0x8d: {  	s2 =	sadd.s32 s2, s16  }
0x8e: {  	[smem:$0x3FBF] =	sst s2  }
0x8f: {  	_ = 	snop  }
0x90: {  	(tm) =	ssettm $0x1  }
0x91: {  	s17 =	sld [smem:$0x3FFB];
	_ =	sdelay $0x3  }
0x92: {  	_ =	strace s17  }
0x93: {  	s2 =	sld [smem:$0x3FFC];
	_ =	sdelay $0x3  }
0x94: {  	_ =	strace s2  }
0x95: {  	s2 =	sld [smem:$0x3FFD];
	_ =	sdelay $0x3  }
0x96: {  	_ =	strace s2  }
0x97: {  	_ =	strace $0x8FFFFFFF  }
0x98: {  	s18 =	sld [smem:$0x3FDB];
	_ =	sdelay $0x1  }
0x99: {  	s19 =	simm.s32 $_scs_section_size  }
0x9a: {  	s4 =	simm.s32 $_size__tile_overlayer_lowered;
	s5 =	simm.s32 $_tile_overlayer_lowered  }
0x9b: {  	s22 =	simm.s32 $0x1BFF;
	s21 =	sshll.u32 s5, $0x1;
	s2 =	sadd.s32 s19, s18  }
0x9c: {  	s6 =	simm.s32 $0x0;
	s20 =	sshll.u32 s4, $0x1;
	s4 =	sadd.s32 s21, s2  }
0x9d: {  	[timem:s6], [sflag:s22] =	dma.local [hbm:s4], s20  }
0x9e: {  	_ =	swait.ge [sflag:s22], s20  }
0x9f: {  	s3 =	ssub.s32 $0x0, s20;
	[sflag:s22] =	ssyncset.done $0x0  }
0xa0: {  	[sflag:s22] =	ssyncadd.s32 s3;
	_ =	sdelay $0x1  }
0xa1: {  	s23 =	simm.s32 $0x1B8B  }
0xa2: {  	_ =	swait.ge [sflag:s23], $0x1  }
0xa3: {  	[sflag:s23] =	ssyncset.done $0x0  }
0xa4: {  	s25 =	simm.s32 $0x1B8E;
	s24 =	sld [smem:$0x3FFE];
	[sflag:s23] =	ssyncadd.s32 $0xFFFFFFFF  }
0xa5: {  	s26 =	simm.s32 $execute0_lowered;
	[smem:$0x3FD2] =	sst s25  }
0xa6: {  	s4 =	sshll.u32 s26, $0x1;
	_ =	strace $0x8000004C;
	[dreg:$0x1] =	wrdreg $0xFFFFFFFF  }
0xa7: {  	s28 =	simm.s32 $_size_execute0_lowered;
	s2 =	sadd.s32 s2, s4;
	[dreg:$0x0] =	wrdreg $0x0  }
0xa8: {  	s4 =	sshll.u32 s28, $0x1;
	[dreg:$0x2] =	wrdreg s2  }
0xa9: {  	[dreg:$0x3] =	wrdreg s4  }
0xaa: {  	[dreg:$0x4] =	wrdreg $0xC0  }
0xab: {  	_ =	task [dreg:s6], $0x5FFFF  }
0xac: {  	[dreg:$0x1] =	wrdreg $0xFFFFFFFF  }
0xad: {  	[dreg:$0x0] =	wrdreg $0x60  }
0xae: {  	[dreg:$0x2] =	wrdreg s24  }
0xaf: {  	[dreg:$0x3] =	wrdreg $0x10F000  }
0xb0: {  	[dreg:$0x4] =	wrdreg $0x9  }
0xb1: {  	_ =	task.clear_ibuf [dreg:s6], $0x5FFFF;
	_ =	strace $0x9000004C  }
0xb2: {  	s29 =	simm.s32 $0x9;
	_ =	strace $0x8000004E  }
0xb3: {  	_ =	swait.ge [sflag:s29], $0x1  }
0xb4: {  	[sflag:s29] =	ssyncadd.s32 $0xFFFFFFFF  }
0xb5: {  	_ =	strace $0x9000004E  }
0xb6: {  	_ =	sfence  }
0xb7: {  	s30 =	sld [smem:$0x0];
	_ =	sdelay $0x2  }
0xb8: {  	s31 =	sshll.u32 s1, $0xD;
	s1 =	sshrl.u32 s1, $0x2  }
0xb9: {  	s3 =	sand.u32 $0x4000, s31;
	s1 =	sadd.s32 s1, s30  }
0xba: {  	s0 =	sor.u32 s3, s0;
	s1 =	sshll.u32 s1, $0x11  }
0xbb: {  	s0 =	sor.u32 s1, s0  }
0xbc: {  	s0 =	sadd.s32 $0x8F2B, s0  }
0xbd: {  	[sflag:s0] =	ssyncadd.remote.s32 $0x1  }
0xbe: {  	_ =	sfence.sel $0xFFFF  }
0xbf: {  	[dreg:$0x0] =	wrdreg $0xFFFFFFFF;
	(pc) =	sbr.abs _section_cstart, $3  }
0xc0: {  	[dreg:$0x1] =	wrdreg $0xFFFFFFFF  }
0xc1: {  	_ =	task.clear_ibuf [dreg:s6], $0x2FFFF;
	_ =	strace $0x9FFFFFFF  }
0xc2: {  	(tm) =	ssettm $0x7FFFFFFF  }
0xc3: {  	_ =	shalt  }
tec
execute0_lowered:
.L_overlay_start_1:
0x0: {  	(tag) =	ssettag $0x1  }
0x1: {  	s5 =	rddreg [dreg:$0x0]  }
0x2: {  	s2 =	rddreg [dreg:$0x1]  }
0x3: {  	s0 =	rddreg [dreg:$0x2];
	s4 =	srdreg.scid  }
0x4: {  	s1 =	stileid.u32;
	s3 =	simm.s32 $0x0;
	s11 =	simm.s32 $0x2  }
0x5: {  	s12 =	simm.s32 $0x2780;
	s13 =	simm.s32 $0x80;
	s14 =	simm.s32 $0x4F00  }
0x6: {  	s15 =	simm.s32 $0x1;
	s16 =	simm.s32 $0x0;
	s4 =	sand.u32 $0x1, s4  }
0x7: {  	s6 =	smul.u32 $0xA000, s1;
	[smem:$0x7FF] =	sst s3;
	s7 =	sshll.u32 s4, $0x4  }
0x8: {  	s8 =	smul.u32 $0xA0000, s4;
	_ =	strace $0x8000004D;
	s9 =	ssub.s32 $0x2, s4  }
0x9: {  	s4 =	sadd.s32 $0x20400, s5;
	s7 =	sor.u32 s1, s7;
	s10 =	sshrl.u32 s9, $0x1  }
0xa: {  	s7 =	smul.u32 $0x4F0, s7;
	s8 =	sadd.s32 s6, s8;
	s9 =	ssub.s32 s9, s10  }
0xb: {  	s10 =	simm.s32 $0x6F00;
	s8 =	sshrl.u32 s8, $0x3;
	s9 =	smax.u32 s9, $0x1  }
0xc: {  	s7 =	sadd.s32 s7, s5;
	s8 =	sadd.s32 s8, s5;
	s5 =	sadd.s32 s6, s2  }
0xd: {  	v0 =	vimm.f32 $0.0e+00;
	s6 =	sadd.s32 $0x16600, s7;
	s7 =	sadd.s32 $0x1E00, s7;
	s8 =	sadd.s32 $0x34400, s8  }
.LBB2_1:
0xe: {  	s18 =	simm.s32 $0x100;
	s17 =	simm.s32 $0x0  }
.LBB2_2:
0xf: {  	p0 =	sne.s32 s18, $0x27F00;
	[tilespmem:s17+$0x6F30] =	vst v0;
	s19 =	smov.u32 s18;
	s18 =	sadd.s32 $0x100, s18  }
.Ltmp0:
0x10: {  	[tilespmem:s17+$0x6F20] =	vst v0;
	(pc) =	sbr.rel @p0 .LBB2_2-.Ltmp0, $3  }
0x11: {  	[tilespmem:s17+$0x6F00] =	vst v0  }
0x12: {  	[tilespmem:s17+$0x6F10] =	vst v0;
	_ =	sdelay $0x1  }
0x13: {  	s17 =	sshra.s32 s19, $0x2  }
0x14: {  	[tilespmem:s17+$0x6F30] =	vst v0  }
0x15: {  	[tilespmem:s17+$0x6F20] =	vst v0  }
0x16: {  	[tilespmem:s17+$0x6F00] =	vst v0  }
0x17: {  	[tilespmem:s17+$0x6F10] =	vst v0  }
0x18: {  	[spmem:s5] =	stream.linear.scatter [tilespmem:s10], [sflag:$0x2], $0xA000, $0x38;
	[tilespmem:$0x1AF00] =	vst v63  }
0x19: {  	_ =	swait.ge [sflag:s11], $0xA000  }
0x1a: {  	[sflag:s11] =	ssyncset.done $0x0  }
0x1b: {  	[sflag:s11] =	ssyncadd.s32 $0xFFFF6000  }
0x1c: {  	s29 =	simm.s32 $0x0;
	[bflag:$0x0] =	sbarrier.arrive $0xFFFF  }
0x1d: {  	[tilespmem:s29], [sflag:$0x2] =	stream.linear.gather [hbm4b:s6+s29], $0x2780, $0x38;
	[tilespmem:$0x1AF00] =	vst v63  }
0x1e: {  	_ =	swait.ge [sflag:s11], $0x2780  }
0x1f: {  	[sflag:s11] =	ssyncset.done $0x0  }
0x20: {  	[sflag:s11] =	ssyncadd.s32 $0xFFFFD880  }
0x21: {  	[tilespmem:s12], [sflag:$0x2] =	stream.linear.gather [hbm4b:s7+s29], $0x2780, $0x38;
	[tilespmem:$0x1AF00] =	vst v63  }
0x22: {  	_ =	swait.ge [sflag:s11], $0x2780  }
0x23: {  	[sflag:s11] =	ssyncset.done $0x0  }
0x24: {  	s30 =	simm.s32 $0x0;
	[sflag:s11] =	ssyncadd.s32 $0xFFFFD880  }
0x25: {  	[tilespmem:s14], [sflag:$0x1] =	stream.indirect.gather [hbm4b:s4+s13], $0x40, s30, s13, $0xb8;
	[tilespmem:$0x1AF00] =	vst v63  }
0x26: {  	_ =	swait.ge [sflag:s15], $0x2000  }
0x27: {  	[sflag:s15] =	ssyncset.done $0x0  }
0x28: {  	s31 =	simm.s32 $0x2780;
	[sflag:s15] =	ssyncadd.s32 $0xFFFFE000  }
0x29: {  	[spmem:s2] =	stream.indirect.scatter.add.f32 [tilespmem:s14], [sflag:$0x2], $0x40, s31, s13, $0xb8;
	[tilespmem:$0x1AF00] =	vst v63  }
0x2a: {  	_ =	swait.ge [sflag:s11], $0x2000  }
0x2b: {  	s17 =	simm.s32 $0x200;
	s18 =	simm.s32 $0x400;
	[sflag:s11] =	ssyncset.done $0x0  }
.LBB2_4:
0x2c: {  	s19 =	sshra.s32 s17, $0x2  }
0x2d: {  	[sflag:s11] =	ssyncadd.s32 $0xFFFFE000;
	s17 =	smov.u32 s18;
	s20 =	sadd.s32 $0x200, s18  }
0x2e: {  	[tilespmem:s14], [sflag:$0x1] =	stream.indirect.gather [hbm4b:s4+s13], $0x40, s19, s13, $0xb8;
	[tilespmem:$0x1AF00] =	vst v63  }
0x2f: {  	p0 =	sne.s32 s18, $0x9C00;
	_ =	swait.ge [sflag:s15], $0x2000  }
.Ltmp1:
0x30: {  	[sflag:s15] =	ssyncset.done $0x0;
	(pc) =	sbr.rel @p0 .LBB2_4-.Ltmp1, $4  }
0x31: {  	s18 =	sadd.s32 $0x2780, s19;
	[sflag:s15] =	ssyncadd.s32 $0xFFFFE000  }
0x32: {  	[spmem:s2] =	stream.indirect.scatter.add.f32 [tilespmem:s14], [sflag:$0x2], $0x40, s18, s13, $0xb8;
	[tilespmem:$0x1AF00] =	vst v63  }
0x33: {  	_ =	swait.ge [sflag:s11], $0x2000  }
0x34: {  	s18 =	smov.u32 s20;
	[sflag:s11] =	ssyncset.done $0x0  }
0x35: {  	s17 =	sshra.s32 s17, $0x2;
	[sflag:s11] =	ssyncadd.s32 $0xFFFFE000  }
0x36: {  	[tilespmem:s14], [sflag:$0x1] =	stream.indirect.gather [hbm4b:s4+s13], $0x40, s17, s13, $0xb8;
	[tilespmem:$0x1AF00] =	vst v63  }
0x37: {  	_ =	swait.ge [sflag:s15], $0x2000  }
0x38: {  	[sflag:s15] =	ssyncset.done $0x0  }
0x39: {  	s17 =	sadd.s32 $0x2780, s17;
	[sflag:s15] =	ssyncadd.s32 $0xFFFFE000  }
0x3a: {  	[spmem:s2] =	stream.indirect.scatter.add.f32 [tilespmem:s14], [sflag:$0x2], $0x40, s17, s13, $0xb8;
	[tilespmem:$0x1AF00] =	vst v63  }
0x3b: {  	_ =	swait.ge [sflag:s11], $0x2000  }
0x3c: {  	[sflag:s11] =	ssyncset.done $0x0  }
0x3d: {  	[sflag:s11] =	ssyncadd.s32 $0xFFFFE000  }
0x3e: {  	[bflag:$0x0] =	sbarrier.arrive $0xFFFF  }
0x3f: {  	[tilespmem:s10], [sflag:$0x2] =	stream.linear.gather [spmem:s5], $0xA000, $0x38;
	[tilespmem:$0x1AF00] =	vst v63  }
0x40: {  	s16 =	sadd.s32 $0x1, s16;
	_ =	swait.ge [sflag:s11], $0xA000  }
0x41: {  	p0 =	sne.s32 s16, s9;
	[sflag:s11] =	ssyncset.done $0x0  }
.Ltmp2:
0x42: {  	[sflag:s11] =	ssyncadd.s32 $0xFFFF6000;
	(pc) =	sbr.rel @p0 .LBB2_1-.Ltmp2, $4  }
0x43: {  	[hbm4b:s8+s3] =	stream.linear.scatter [tilespmem:s10], [sflag:$0x2], $0xA000, $0x38;
	[tilespmem:$0x1AF00] =	vst v63  }
0x44: {  	_ =	swait.ge [sflag:s11], $0xA000  }
0x45: {  	[sflag:s11] =	ssyncset.done $0x0  }
0x46: {  	[sflag:s11] =	ssyncadd.s32 $0xFFFF6000  }
0x47: {  	_ =	sfence.sel $0x180000  }
0x48: {  	[bflag:$0x0] =	sbarrier.arrive $0xFFFF  }
0x49: {  	p0 =	sne.s32 s1, $0x0;
	_ =	strace $0x9000004D  }
0x4a: {  	s0 =	sadd.s32 @!p0 $0x100000, s0;
	[bflag:$0x2] =	sbarrier.arrive $0xFFFF  }
0x4b: {  	[sflag:s0] =	ssyncadd.tile.s32 @!p0 $0x1;
	_ =	shalt  }
.Lfunc_end2:
_tile_overlayer_lowered:
.L_overlay_start_2:
0x4c: {  	(tag) =	ssettag $0x2  }
0x4d: {  	s0 =	rddreg [dreg:$0x0];
	s2 =	stileid.u32  }
0x4e: {  	s1 =	rddreg [dreg:$0x1];
	p0 =	sne.s32 s2, $0x0  }
0x4f: {  	s3 =	rddreg [dreg:$0x2];
	[bflag:$0x3] =	sbarrier.arrive $0xFFFF;
	s2 =	simm.s32 @!p0 $0x1C02  }
0x50: {  	[timem:s3], [sflag:s2] =	dma.local @!p0 [hbm:s0], s1  }
0x51: {  	s0 =	simm.s32 @!p0 $0x2  }
0x52: {  	_ =	swait.ge @!p0 [sflag:s0], s1  }
0x53: {  	s1 =	ssub.s32 @!p0 $0x0, s1;
	[sflag:s0] =	ssyncset.done @!p0 $0x0  }
0x54: {  	[sflag:s0] =	ssyncadd.s32 @!p0 s1  }
0x55: {  	[bflag:$0x3] =	sbarrier.arrive $0xFFFF  }
0x56: {  	_ =	shalt  }

// kernel: kernel.8.cloned.1.call-start
scs
__scs_entry_jumppad:
0x0: {  	(pc) =	sbr.rel $0x88, $3  }
0x1: {  	(tag) =	ssettag $0x0;
	lr =	simm.s32 $0x1  }
0x2: {  	[smem:$0x3F98] =	sst lr;
	_ =	strace $0xD0000000  }
0x3: {  	_ = 	snop  }
0x4: {  	_ = 	snop  }
0x5: {  	_ = 	snop  }
0x6: {  	_ = 	snop  }
0x7: {  	_ = 	snop  }
__scs_overlays_trampoline_lowered:
0x8: {  	[smem:$0x3FA7] =	sst s0  }
0x9: {  	[smem:$0x3FA8] =	sst s1  }
0xa: {  	[smem:$0x3FA9] =	sst s2  }
0xb: {  	[smem:$0x3FAA] =	sst s3  }
0xc: {  	[smem:$0x3FAB] =	sst s4  }
0xd: {  	[smem:$0x3FAC] =	sst s5  }
0xe: {  	[smem:$0x3FAD] =	sst s6  }
0xf: {  	[smem:$0x3FAE] =	sst s7  }
0x10: {  	[smem:$0x3FAF] =	sst s8  }
0x11: {  	[smem:$0x3FB0] =	sst s9;
	s0 =	simm.s32 @!p0 $0x0  }
0x12: {  	s1 =	sld [smem:$0x3F96];
	s0 =	simm.s32 @p0 $0x1  }
0x13: {  	[smem:$0x3FB1] =	sst s0;
	s0 =	simm.s32 @!p1 $0x0  }
0x14: {  	s2 =	sld [smem:$0x3F95];
	s0 =	simm.s32 @p1 $0x1  }
0x15: {  	[smem:$0x3FB2] =	sst s0;
	s0 =	simm.s32 @!p2 $0x0  }
0x16: {  	s3 =	sld [smem:$0x3FDB];
	s0 =	simm.s32 @p2 $0x1  }
0x17: {  	s4 =	simm.s32 $0x1BF5;
	[smem:$0x3FB4] =	sst s0  }
0x18: {  	s0 =	sld [smem:$0x3F97];
	_ =	swait.ge [sflag:s4], $0x0  }
0x19: {  	s7 =	sld [smem:$0x3F98]  }
0x1a: {  	s8 =	sadd.s32 $0xFFFFE003, lr  }
0x1b: {  	s9 =	sadd.s32 $0xFFFFFEF7, lr;
	s5 =	simm.s32 $0xFFFFFFFF;
	p2 =	slt.u32 s8, $0xFFFFF086  }
0x1c: {  	p1 =	slt.u32 s9, $0xF7A;
	s5 =	simm.s32 @!p2 $0x0  }
0x1d: {  	s5 =	simm.s32 @p1 $0x1;
	p0 =	seq.s32 s7, s2  }
0x1e: {  	s7 =	smul.u32 @!p0 $0xF7A, s2;
	p2 =	seq.s32 @!p0 s5, $0x0  }
0x1f: {  	s9 =	smul.u32 $0xF7A, s1;
	s8 =	simm.s32 @!p0 $0x1BF5;
	p2 =	por !p2, p0  }
0x20: {  	[sflag:s8] =	ssyncset.s32 @!p0 $0xFFFFF086;
	s6 =	sadd.s32 @!p0 s3, s7;
	s7 =	simm.s32 @!p0 $0x108  }
0x21: {  	s3 =	sadd.s32 s3, s9;
	s6 =	sadd.s32 @!p0 $0x88, s6;
	s7 =	simm.s32 @p2 $0x1082  }
0x22: {  	[simem:s7], [sflag:s8] =	dma.local @!p0 [hbm:s6], $0xF7A  }
0x23: {  	s9 =	sor.u32 $0xD0000000, s2;
	s6 =	simm.s32 $0x108;
	_ =	swait.ge @!p0 [sflag:s8], $0x0  }
0x24: {  	s3 =	sadd.s32 $0x88, s3;
	s6 =	simm.s32 @!p1 $0x1082;
	[sflag:s4] =	ssyncset.s32 $0xFFFFF086  }
0x25: {  	[simem:s6], [sflag:s4] =	dma.local [hbm:s3], $0xF7A  }
0x26: {  	[smem:$0x3F98] =	sst s1;
	(tag) =	ssettag s2;
	_ =	strace s9  }
0x27: {  	s1 =	sld [smem:$0x3FA8]  }
0x28: {  	s2 =	sld [smem:$0x3FA9]  }
0x29: {  	s4 =	sld [smem:$0x3FAB]  }
0x2a: {  	p0 =	seq.s32 s5, $0x0;
	s5 =	sld [smem:$0x3FAC]  }
0x2b: {  	s6 =	sld [smem:$0x3FAD]  }
0x2c: {  	s7 =	sld [smem:$0x3FAE]  }
0x2d: {  	s3 =	simm.s32 $0x108;
	s8 =	sld [smem:$0x3FAF]  }
0x2e: {  	s3 =	simm.s32 @!p0 $0x1082;
	s9 =	sld [smem:$0x3FB0]  }
0x2f: {  	lr =	sadd.s32 s0, s3;
	s0 =	sld [smem:$0x3FA7]  }
0x30: {  	s3 =	sld [smem:$0x3FAA]  }
0x31: {  	[smem:$0x3FB3] =	sst s10  }
0x32: {  	s10 =	sld [smem:$0x3FB1];
	_ =	sdelay $0x3  }
0x33: {  	p0 =	seq.s32 s10, $0x1;
	s10 =	sld [smem:$0x3FB3];
	_ =	sdelay $0x3  }
0x34: {  	[smem:$0x3FB3] =	sst s10  }
0x35: {  	s10 =	sld [smem:$0x3FB2];
	_ =	sdelay $0x3  }
0x36: {  	p1 =	seq.s32 s10, $0x1;
	s10 =	sld [smem:$0x3FB3];
	_ =	sdelay $0x3  }
0x37: {  	[smem:$0x3FB3] =	sst s10  }
0x38: {  	s10 =	sld [smem:$0x3FB4]  }
0x39: {  	_ = 	snop;
	(pc) =	sbr.ind lr, $3  }
0x3a: {  	_ = 	snop  }
0x3b: {  	_ = 	snop  }
0x3c: {  	p2 =	seq.s32 s10, $0x1;
	s10 =	sld [smem:$0x3FB3]  }
0x3d: {  	_ =	shalt  }
0x3e: {  	_ =	shalt  }
0x3f: {  	_ =	shalt  }
0x40: {  	_ =	shalt  }
0x41: {  	_ =	shalt  }
0x42: {  	_ =	shalt  }
0x43: {  	_ =	shalt  }
0x44: {  	_ =	shalt  }
0x45: {  	_ =	shalt  }
0x46: {  	_ =	shalt  }
0x47: {  	_ =	shalt  }
0x48: {  	_ =	shalt  }
0x49: {  	_ =	shalt  }
0x4a: {  	_ =	shalt  }
0x4b: {  	_ =	shalt  }
0x4c: {  	_ =	shalt  }
0x4d: {  	_ =	shalt  }
0x4e: {  	_ =	shalt  }
0x4f: {  	_ =	shalt  }
0x50: {  	_ =	shalt  }
0x51: {  	_ =	shalt  }
0x52: {  	_ =	shalt  }
0x53: {  	_ =	shalt  }
0x54: {  	_ =	shalt  }
0x55: {  	_ =	shalt  }
0x56: {  	_ =	shalt  }
0x57: {  	_ =	shalt  }
0x58: {  	_ =	shalt  }
0x59: {  	_ =	shalt  }
0x5a: {  	_ =	shalt  }
0x5b: {  	_ =	shalt  }
0x5c: {  	_ =	shalt  }
0x5d: {  	_ =	shalt  }
0x5e: {  	_ =	shalt  }
0x5f: {  	_ =	shalt  }
0x60: {  	_ =	shalt  }
0x61: {  	_ =	shalt  }
0x62: {  	_ =	shalt  }
0x63: {  	_ =	shalt  }
0x64: {  	_ =	shalt  }
0x65: {  	_ =	shalt  }
0x66: {  	_ =	shalt  }
0x67: {  	_ =	shalt  }
0x68: {  	_ =	shalt  }
0x69: {  	_ =	shalt  }
0x6a: {  	_ =	shalt  }
0x6b: {  	_ =	shalt  }
0x6c: {  	_ =	shalt  }
0x6d: {  	_ =	shalt  }
0x6e: {  	_ =	shalt  }
0x6f: {  	_ =	shalt  }
0x70: {  	_ =	shalt  }
0x71: {  	_ =	shalt  }
0x72: {  	_ =	shalt  }
0x73: {  	_ =	shalt  }
0x74: {  	_ =	shalt  }
0x75: {  	_ =	shalt  }
0x76: {  	_ =	shalt  }
0x77: {  	_ =	shalt  }
0x78: {  	_ =	shalt  }
0x79: {  	_ =	shalt  }
0x7a: {  	_ =	shalt  }
0x7b: {  	_ =	shalt  }
0x7c: {  	_ =	shalt  }
0x7d: {  	_ =	shalt  }
0x7e: {  	_ =	shalt  }
0x7f: {  	_ =	shalt  }
0x80: {  	_ =	shalt  }
0x81: {  	_ =	shalt  }
0x82: {  	_ =	shalt  }
0x83: {  	_ =	shalt  }
0x84: {  	_ =	shalt  }
0x85: {  	_ =	shalt  }
0x86: {  	_ =	shalt  }
0x87: {  	_ =	shalt  }
.Lfunc_end0:
.L_simem_size_0:
called_computation_lowered:
.L_overlay_start_0:
0x88: {  	s2 =	sld [smem:$0x3FD9]  }
0x89: {  	s3 =	sld [smem:$0x3FFE];
	_ =	sdelay $0x1  }
0x8a: {  	s1 =	srdreg.scid  }
0x8b: {  	s0 =	sand.u32 $0x1, s1  }
0x8c: {  	s16 =	sshll.u32 s0, $0xA;
	s2 =	sadd.s32 s3, s2  }
0x8d: {  	s2 =	sadd.s32 s2, s16  }
0x8e: {  	[smem:$0x3FBF] =	sst s2  }
0x8f: {  	_ = 	snop  }
0x90: {  	(tm) =	ssettm $0x1  }
0x91: {  	s17 =	sld [smem:$0x3FFB];
	_ =	sdelay $0x3  }
0x92: {  	_ =	strace s17  }
0x93: {  	s2 =	sld [smem:$0x3FFC];
	_ =	sdelay $0x3  }
0x94: {  	_ =	strace s2  }
0x95: {  	s2 =	sld [smem:$0x3FFD];
	_ =	sdelay $0x3  }
0x96: {  	_ =	strace s2  }
0x97: {  	_ =	strace $0x8FFFFFFF  }
0x98: {  	s18 =	sld [smem:$0x3FDB];
	_ =	sdelay $0x1  }
0x99: {  	s19 =	simm.s32 $_scs_section_size  }
0x9a: {  	s4 =	simm.s32 $_size__tile_overlayer_lowered;
	s5 =	simm.s32 $_tile_overlayer_lowered  }
0x9b: {  	s22 =	simm.s32 $0x1BFF;
	s21 =	sshll.u32 s5, $0x1;
	s2 =	sadd.s32 s19, s18  }
0x9c: {  	s6 =	simm.s32 $0x0;
	s20 =	sshll.u32 s4, $0x1;
	s4 =	sadd.s32 s21, s2  }
0x9d: {  	[timem:s6], [sflag:s22] =	dma.local [hbm:s4], s20  }
0x9e: {  	_ =	swait.ge [sflag:s22], s20  }
0x9f: {  	s3 =	ssub.s32 $0x0, s20;
	[sflag:s22] =	ssyncset.done $0x0  }
0xa0: {  	[sflag:s22] =	ssyncadd.s32 s3;
	_ =	sdelay $0x1  }
0xa1: {  	s23 =	simm.s32 $0x1B8B  }
0xa2: {  	_ =	swait.ge [sflag:s23], $0x1  }
0xa3: {  	[sflag:s23] =	ssyncset.done $0x0  }
0xa4: {  	s25 =	simm.s32 $0x1B8E;
	s24 =	sld [smem:$0x3FFE];
	[sflag:s23] =	ssyncadd.s32 $0xFFFFFFFF  }
0xa5: {  	s26 =	simm.s32 $execute0_lowered;
	[smem:$0x3FD2] =	sst s25  }
0xa6: {  	s4 =	sshll.u32 s26, $0x1;
	_ =	strace $0x80000046;
	[dreg:$0x1] =	wrdreg $0xFFFFFFFF  }
0xa7: {  	s28 =	simm.s32 $_size_execute0_lowered;
	s2 =	sadd.s32 s2, s4;
	[dreg:$0x0] =	wrdreg $0x0  }
0xa8: {  	s4 =	sshll.u32 s28, $0x1;
	[dreg:$0x2] =	wrdreg s2  }
0xa9: {  	[dreg:$0x3] =	wrdreg s4  }
0xaa: {  	[dreg:$0x4] =	wrdreg $0xC0  }
0xab: {  	_ =	task [dreg:s6], $0x5FFFF  }
0xac: {  	[dreg:$0x1] =	wrdreg $0xFFFFFFFF  }
0xad: {  	[dreg:$0x0] =	wrdreg $0x60  }
0xae: {  	[dreg:$0x2] =	wrdreg s24  }
0xaf: {  	[dreg:$0x3] =	wrdreg $0x2B000  }
0xb0: {  	[dreg:$0x4] =	wrdreg $0x9  }
0xb1: {  	_ =	task.clear_ibuf [dreg:s6], $0x5FFFF;
	_ =	strace $0x90000046  }
0xb2: {  	s29 =	simm.s32 $0x9;
	_ =	strace $0x80000048  }
0xb3: {  	_ =	swait.ge [sflag:s29], $0x1  }
0xb4: {  	[sflag:s29] =	ssyncadd.s32 $0xFFFFFFFF  }
0xb5: {  	_ =	strace $0x90000048  }
0xb6: {  	_ =	sfence  }
0xb7: {  	s30 =	sld [smem:$0x0];
	_ =	sdelay $0x2  }
0xb8: {  	s31 =	sshll.u32 s1, $0xD;
	s1 =	sshrl.u32 s1, $0x2  }
0xb9: {  	s3 =	sand.u32 $0x4000, s31;
	s1 =	sadd.s32 s1, s30  }
0xba: {  	s0 =	sor.u32 s3, s0;
	s1 =	sshll.u32 s1, $0x11  }
0xbb: {  	s0 =	sor.u32 s1, s0  }
0xbc: {  	s0 =	sadd.s32 $0x8F2B, s0  }
0xbd: {  	[sflag:s0] =	ssyncadd.remote.s32 $0x1  }
0xbe: {  	_ =	sfence.sel $0xFFFF  }
0xbf: {  	[dreg:$0x0] =	wrdreg $0xFFFFFFFF;
	(pc) =	sbr.abs _section_cstart, $3  }
0xc0: {  	[dreg:$0x1] =	wrdreg $0xFFFFFFFF  }
0xc1: {  	_ =	task.clear_ibuf [dreg:s6], $0x2FFFF;
	_ =	strace $0x9FFFFFFF  }
0xc2: {  	(tm) =	ssettm $0x7FFFFFFF  }
0xc3: {  	_ =	shalt  }
tec
execute0_lowered:
.L_overlay_start_1:
0x0: {  	(tag) =	ssettag $0x1  }
0x1: {  	s5 =	rddreg [dreg:$0x0]  }
0x2: {  	s0 =	srdreg.scid;
	s2 =	rddreg [dreg:$0x1]  }
0x3: {  	s3 =	simm.s32 $0x0;
	s10 =	simm.s32 $0x80;
	s11 =	simm.s32 $0x2800  }
0x4: {  	s12 =	simm.s32 $0x100;
	s4 =	sand.u32 $0x1, s0;
	s0 =	stileid.u32  }
0x5: {  	s13 =	simm.s32 $0x0;
	[smem:$0x7FF] =	sst s3;
	s7 =	smul.u32 $0x500, s0  }
0x6: {  	s1 =	sshll.u32 s4, $0x4;
	s8 =	sshll.u32 s4, $0x7;
	s9 =	smul.u32 $0xA00, s0  }
0x7: {  	s4 =	ssub.s32 $0x2, s4;
	s6 =	sor.u32 s0, s1;
	s1 =	rddreg [dreg:$0x2]  }
0x8: {  	_ =	strace $0x80000047;
	s31 =	sshrl.u32 s4, $0x1;
	s6 =	smul.u32 $0x500, s6  }
0x9: {  	s7 =	sor.u32 s8, s7;
	s9 =	sshrl.u32 s9, $0x2;
	s8 =	ssub.s32 s4, s31  }
0xa: {  	s7 =	sshrl.u32 s7, $0x3;
	s4 =	sadd.s32 s9, s2;
	s6 =	sadd.s32 s6, s5  }
0xb: {  	s9 =	simm.s32 $0x1;
	s7 =	sadd.s32 s7, s5;
	s5 =	sadd.s32 $0xBC00, s6  }
0xc: {  	v0 =	vimm.f32 $0.0e+00;
	v1 =	vimm.f32 $1.000000000e+00;
	s6 =	sadd.s32 $0x15C00, s7;
	s7 =	smax.u32 s8, $0x1;
	s8 =	simm.s32 $0x2880  }
.LBB2_1:
0xd: {  	[tilespmem:$0x2880] =	vst v0  }
0xe: {  	[tilespmem:$0x2890] =	vst v0  }
0xf: {  	[tilespmem:$0x28A0] =	vst v0  }
0x10: {  	[tilespmem:$0x28B0] =	vst v0  }
0x11: {  	[tilespmem:$0x28C0] =	vst v0  }
0x12: {  	[tilespmem:$0x28D0] =	vst v0  }
0x13: {  	[tilespmem:$0x28E0] =	vst v0  }
0x14: {  	[tilespmem:$0x28F0] =	vst v0  }
0x15: {  	[tilespmem:$0x2900] =	vst v0  }
0x16: {  	[tilespmem:$0x2910] =	vst v0  }
0x17: {  	[tilespmem:$0x2920] =	vst v0  }
0x18: {  	[tilespmem:$0x2930] =	vst v0  }
0x19: {  	[tilespmem:$0x2940] =	vst v0  }
0x1a: {  	[tilespmem:$0x2950] =	vst v0  }
0x1b: {  	[tilespmem:$0x2960] =	vst v0  }
0x1c: {  	[tilespmem:$0x2970] =	vst v0  }
0x1d: {  	[tilespmem:$0x2980] =	vst v0  }
0x1e: {  	[tilespmem:$0x2990] =	vst v0  }
0x1f: {  	[tilespmem:$0x29A0] =	vst v0  }
0x20: {  	[tilespmem:$0x29B0] =	vst v0  }
0x21: {  	[tilespmem:$0x29C0] =	vst v0  }
0x22: {  	[tilespmem:$0x29D0] =	vst v0  }
0x23: {  	[tilespmem:$0x29E0] =	vst v0  }
0x24: {  	[tilespmem:$0x29F0] =	vst v0  }
0x25: {  	[tilespmem:$0x2A00] =	vst v0  }
0x26: {  	[tilespmem:$0x2A10] =	vst v0  }
0x27: {  	[tilespmem:$0x2A20] =	vst v0  }
0x28: {  	[tilespmem:$0x2A30] =	vst v0  }
0x29: {  	[tilespmem:$0x2A40] =	vst v0  }
0x2a: {  	[tilespmem:$0x2A50] =	vst v0  }
0x2b: {  	[tilespmem:$0x2A60] =	vst v0  }
0x2c: {  	[tilespmem:$0x2A70] =	vst v0  }
0x2d: {  	[tilespmem:$0x2A80] =	vst v0  }
0x2e: {  	[tilespmem:$0x2A90] =	vst v0  }
0x2f: {  	[tilespmem:$0x2AA0] =	vst v0  }
0x30: {  	[tilespmem:$0x2AB0] =	vst v0  }
0x31: {  	[tilespmem:$0x2AC0] =	vst v0  }
0x32: {  	[tilespmem:$0x2AD0] =	vst v0  }
0x33: {  	[tilespmem:$0x2AE0] =	vst v0  }
0x34: {  	[tilespmem:$0x2AF0] =	vst v0  }
0x35: {  	[tilespmem:$0x2800] =	vst v1  }
0x36: {  	[tilespmem:$0x2810] =	vst v1  }
0x37: {  	[tilespmem:$0x2820] =	vst v1  }
0x38: {  	[tilespmem:$0x2830] =	vst v1  }
0x39: {  	[tilespmem:$0x2840] =	vst v1  }
0x3a: {  	[tilespmem:$0x2850] =	vst v1  }
0x3b: {  	[tilespmem:$0x2860] =	vst v1  }
0x3c: {  	[tilespmem:$0x2870] =	vst v1  }
0x3d: {  	[spmem:s4] =	stream.linear.scatter [tilespmem:s8], [sflag:$0x1], $0x280, $0x38;
	[tilespmem:$0x2D80] =	vst v63  }
0x3e: {  	_ =	swait.ge [sflag:s9], $0x280  }
0x3f: {  	[sflag:s9] =	ssyncset.done $0x0  }
0x40: {  	[sflag:s9] =	ssyncadd.s32 $0xFFFFFD80  }
0x41: {  	[bflag:$0x0] =	sbarrier.arrive $0xFFFF  }
0x42: {  	[tilespmem:s3], [sflag:$0x1] =	stream.linear.gather [hbm4b:s5+s3], $0x2780, $0x38;
	[tilespmem:$0x2D80] =	vst v63  }
0x43: {  	_ =	swait.ge [sflag:s9], $0x2780  }
0x44: {  	[sflag:s9] =	ssyncset.done $0x0  }
0x45: {  	s14 =	simm.s32 $0x0;
	[sflag:s9] =	ssyncadd.s32 $0xFFFFD880  }
0x46: {  	[spmem:s2] =	stream.indirect.scatter.add.f32 [tilespmem:s11], [sflag:$0x1], $0x1, s14, s10, $0xb8;
	[tilespmem:$0x2D80] =	vst v63  }
0x47: {  	_ =	swait.ge [sflag:s9], $0x80  }
0x48: {  	s14 =	simm.s32 $0x200;
	[sflag:s9] =	ssyncset.done $0x0  }
.LBB2_2:
0x49: {  	s15 =	sshra.s32 s14, $0x2;
	[sflag:s9] =	ssyncadd.s32 $0xFFFFFF80;
	p0 =	sne.s32 s14, $0x9C00  }
0x4a: {  	[spmem:s2] =	stream.indirect.scatter.add.f32 [tilespmem:s11], [sflag:$0x1], $0x1, s15, s10, $0xb8;
	[tilespmem:$0x2D80] =	vst v63  }
.Ltmp0:
0x4b: {  	_ = 	snop;
	(pc) =	sbr.rel @p0 .LBB2_2-.Ltmp0, $4  }
0x4c: {  	_ = 	snop  }
0x4d: {  	s14 =	sadd.s32 $0x200, s14  }
0x4e: {  	_ =	swait.ge [sflag:s9], $0x80  }
0x4f: {  	[sflag:s9] =	ssyncset.done $0x0  }
0x50: {  	[sflag:s9] =	ssyncadd.s32 $0xFFFFFF80  }
0x51: {  	[bflag:$0x0] =	sbarrier.arrive $0xFFFF  }
0x52: {  	[tilespmem:s8], [sflag:$0x1] =	stream.linear.gather [spmem:s4], $0x280, $0x38;
	[tilespmem:$0x2D80] =	vst v63  }
0x53: {  	s13 =	sadd.s32 $0x1, s13;
	_ =	swait.ge [sflag:s9], $0x280  }
0x54: {  	p0 =	sne.s32 s13, s7;
	[sflag:s9] =	ssyncset.done $0x0  }
.Ltmp1:
0x55: {  	[sflag:s9] =	ssyncadd.s32 $0xFFFFFD80;
	(pc) =	sbr.rel @p0 .LBB2_1-.Ltmp1, $4  }
0x56: {  	[hbm4b:s6+s10] =	stream.strided.scatter [tilespmem:s8], [sflag:$0x1], $0x280, s12, s10, $0x38;
	[tilespmem:$0x2D80] =	vst v63  }
0x57: {  	_ =	swait.ge [sflag:s9], $0x280  }
0x58: {  	[sflag:s9] =	ssyncset.done $0x0  }
0x59: {  	[sflag:s9] =	ssyncadd.s32 $0xFFFFFD80  }
0x5a: {  	_ =	sfence.sel $0x180000  }
0x5b: {  	[bflag:$0x0] =	sbarrier.arrive $0xFFFF  }
0x5c: {  	p0 =	sne.s32 s0, $0x0;
	_ =	strace $0x90000047  }
0x5d: {  	s0 =	sadd.s32 @!p0 $0x100000, s1;
	[bflag:$0x2] =	sbarrier.arrive $0xFFFF  }
0x5e: {  	[sflag:s0] =	ssyncadd.tile.s32 @!p0 $0x1;
	_ =	shalt  }
.Lfunc_end2:
_tile_overlayer_lowered:
.L_overlay_start_2:
0x5f: {  	(tag) =	ssettag $0x2  }
0x60: {  	s0 =	rddreg [dreg:$0x0];
	s2 =	stileid.u32  }
0x61: {  	s1 =	rddreg [dreg:$0x1];
	p0 =	sne.s32 s2, $0x0  }
0x62: {  	s3 =	rddreg [dreg:$0x2];
	[bflag:$0x3] =	sbarrier.arrive $0xFFFF;
	s2 =	simm.s32 @!p0 $0x1C01  }
0x63: {  	[timem:s3], [sflag:s2] =	dma.local @!p0 [hbm:s0], s1  }
0x64: {  	s0 =	simm.s32 @!p0 $0x1  }
0x65: {  	_ =	swait.ge @!p0 [sflag:s0], s1  }
0x66: {  	s1 =	ssub.s32 @!p0 $0x0, s1;
	[sflag:s0] =	ssyncset.done @!p0 $0x0  }
0x67: {  	[sflag:s0] =	ssyncadd.s32 @!p0 s1  }
0x68: {  	[bflag:$0x3] =	sbarrier.arrive $0xFFFF  }
0x69: {  	_ =	shalt  }

</sc_bundles>
